<compile_context>
chip_gen: v7x
topology: tpu7x:2x2x1
jax: 0.10.2.dev20260603
libtpu: 0.0.44.dev20260713+nightly
codegen_flags: <defaults>
</compile_context>

<pallas_src>
import functools

import jax
import jax.numpy as jnp
from jax import lax
from jax.experimental import pallas as pl
from jax.experimental.pallas import tpu as pltpu
from jax.experimental.pallas import tpu_sc as plsc

N = 10000
E = 320000
D = 128
NC, NS = 2, 16
CHUNK = 128
NTILES = NC * NS
G_PER_TILE = 84
G_HALF = G_PER_TILE // 2
E_PAD = NTILES * CHUNK * G_PER_TILE
NPAD = 10240
DUMP = NPAD - 1
ROWS_PER_TILE = NPAD // NS

_mesh = plsc.VectorSubcoreMesh(core_axis_name="c", subcore_axis_name="s")


@functools.partial(
    pl.kernel,
    compiler_params=pltpu.CompilerParams(use_tc_tiling_on_sc=False),
    out_type=jax.ShapeDtypeStruct((NC, NPAD, 16), jnp.float32),
    mesh=_mesh,
    scratch_types=[
        pltpu.VMEM_SHARED((NPAD, 16), jnp.float32),
        pltpu.VMEM((CHUNK, 16), jnp.float32),
        pltpu.VMEM((CHUNK, 16), jnp.float32),
        pltpu.VMEM((G_PER_TILE, CHUNK), jnp.int32),
        pltpu.SemaphoreType.DMA,
        pltpu.SemaphoreType.DMA,
    ],
)
def _deg_call(dst_hbm, deg_out, deg_sh, ones_v, zero_v, idx_v, isem, ssem):
    cid = lax.axis_index("c")
    sid = lax.axis_index("s")
    wid = cid * NS + sid

    idx_load = pltpu.async_copy(
        dst_hbm.at[pl.ds(wid * G_PER_TILE, G_PER_TILE)], idx_v, isem)

    def fill(i, _):
        ones_v[i] = jnp.full((16,), 1.0, jnp.float32)
        zero_v[i] = jnp.zeros((16,), jnp.float32)
        return 0

    lax.fori_loop(0, CHUNK, fill, 0)
    def zinit(r, _):
        pltpu.sync_copy(zero_v, deg_sh.at[pl.ds(sid * ROWS_PER_TILE + r * CHUNK, CHUNK)])
        return 0

    lax.fori_loop(0, ROWS_PER_TILE // CHUNK, zinit, 0)
    idx_load.wait()
    plsc.subcore_barrier()

    def body(g, _):
        pltpu.async_copy(ones_v, deg_sh.at[idx_v.at[g]], ssem, add=True)
        return 0

    lax.fori_loop(0, G_PER_TILE, body, 0)

    def drain(g, _):
        pltpu.make_async_copy(ones_v, deg_sh.at[idx_v.at[0]], ssem).wait()
        return 0

    lax.fori_loop(0, G_PER_TILE, drain, 0)
    plsc.subcore_barrier()
    pltpu.sync_copy(
        deg_sh.at[pl.ds(sid * ROWS_PER_TILE, ROWS_PER_TILE)],
        deg_out.at[cid, pl.ds(sid * ROWS_PER_TILE, ROWS_PER_TILE)],
    )


def _sigma_body(w_ref, o_ref):
    w = w_ref[...]
    m = jnp.dot(w, w.T, preferred_element_type=jnp.float32)

    def it(_, v):
        u = jnp.dot(v, m, preferred_element_type=jnp.float32)
        nrm = jnp.sqrt(jnp.sum(u * u))
        return u / nrm

    v = lax.fori_loop(0, 48, it, jnp.full((1, D), 1.0 / (D ** 0.5), jnp.float32))
    u = jnp.dot(v, m, preferred_element_type=jnp.float32)
    lam = jnp.sqrt(jnp.sum(u * u))
    o_ref[...] = jnp.full((1, 1), jnp.sqrt(lam), jnp.float32)


def _sigma_call(w):
    return pl.pallas_call(
        _sigma_body,
        out_shape=jax.ShapeDtypeStruct((1, 1), jnp.float32),
    )(w)


_RB = 512


def _xs_body(x_ref, w_ref, sig_ref, deg_ref, o_ref):
    inv_sigma = 1.0 / sig_ref[0, 0]
    d = deg_ref[0, :, 0:1] + deg_ref[1, :, 0:1] + 1.0
    dinv = lax.rsqrt(d)
    xw = lax.dot_general(
        x_ref[...], w_ref[...], (((1,), (1,)), ((), ())),
        preferred_element_type=jnp.float32,
    )
    o_ref[...] = xw * (dinv * inv_sigma)


def _xs_call(x_pad, w, sig, deg):
    return pl.pallas_call(
        _xs_body,
        grid=(NPAD // _RB,),
        in_specs=[
            pl.BlockSpec((_RB, D), lambda i: (i, 0)),
            pl.BlockSpec((D, D), lambda i: (0, 0)),
            pl.BlockSpec((1, 1), lambda i: (0, 0)),
            pl.BlockSpec((NC, _RB, 16), lambda i: (0, i, 0)),
        ],
        out_specs=pl.BlockSpec((_RB, D), lambda i: (i, 0)),
        out_shape=jax.ShapeDtypeStruct((NPAD, D), jnp.float32),
    )(x_pad, w, sig, deg)


DH = D // NC
G_TILE_ALL = NTILES * G_PER_TILE // NS
N_STAGE = 4
G_STAGE = G_TILE_ALL // N_STAGE


@functools.partial(
    pl.kernel,
    compiler_params=pltpu.CompilerParams(use_tc_tiling_on_sc=False),
    out_type=jax.ShapeDtypeStruct((NPAD, D), jnp.float32),
    mesh=_mesh,
    scratch_types=[
        pltpu.VMEM_SHARED((NPAD, DH), jnp.float32),
        pltpu.VMEM_SHARED((NPAD, DH), jnp.float32),
        pltpu.VMEM((CHUNK, DH), jnp.float32),
        pltpu.VMEM((CHUNK, DH), jnp.float32),
        pltpu.VMEM((G_STAGE, CHUNK), jnp.int32),
        pltpu.VMEM((G_STAGE, CHUNK), jnp.int32),
        pltpu.SemaphoreType.DMA,
        pltpu.SemaphoreType.DMA,
        pltpu.SemaphoreType.DMA,
    ],
)
def _acc_call(xs_hbm, src_hbm, dst_hbm, acc_out,
              xs_sh, acc_sh, rows_a, rows_b, src_v, dst_v, sem_a, sem_b, isem):
    cid = lax.axis_index("c")
    sid = lax.axis_index("s")
    tile_c0 = sid * G_TILE_ALL

    src_load = pltpu.async_copy(
        src_hbm.at[pl.ds(tile_c0, G_STAGE)], src_v, isem)
    dst_load = pltpu.async_copy(
        dst_hbm.at[pl.ds(tile_c0, G_STAGE)], dst_v, isem)

    pltpu.sync_copy(
        xs_hbm.at[pl.ds(sid * ROWS_PER_TILE, ROWS_PER_TILE), pl.ds(cid * DH, DH)],
        xs_sh.at[pl.ds(sid * ROWS_PER_TILE, ROWS_PER_TILE)],
    )

    def zfill(k, _):
        rows_a[k // (DH // 16), pl.ds((k % (DH // 16)) * 16, 16)] = jnp.zeros(
            (16,), jnp.float32)
        return 0

    lax.fori_loop(0, CHUNK * (DH // 16), zfill, 0)

    def zinit(r, _):
        pltpu.sync_copy(rows_a, acc_sh.at[pl.ds(sid * ROWS_PER_TILE + r * CHUNK, CHUNK)])
        return 0

    lax.fori_loop(0, ROWS_PER_TILE // CHUNK, zinit, 0)
    src_load.wait()
    dst_load.wait()
    plsc.subcore_barrier()

    for h in range(N_STAGE):
        pltpu.async_copy(xs_sh.at[src_v.at[0]], rows_a, sem_a)

        def body(g2, _):
            g = g2 * 2
            pltpu.make_async_copy(xs_sh.at[src_v.at[g]], rows_a, sem_a).wait()
            pltpu.async_copy(xs_sh.at[src_v.at[g + 1]], rows_b, sem_b)
            pltpu.sync_copy(rows_a, acc_sh.at[dst_v.at[g]], add=True)

            @pl.when(g2 < G_STAGE // 2 - 1)
            def _():
                pltpu.async_copy(xs_sh.at[src_v.at[g + 2]], rows_a, sem_a)

            pltpu.make_async_copy(xs_sh.at[src_v.at[g + 1]], rows_b, sem_b).wait()
            pltpu.sync_copy(rows_b, acc_sh.at[dst_v.at[g + 1]], add=True)
            return 0

        lax.fori_loop(0, G_STAGE // 2, body, 0)
        if h < N_STAGE - 1:
            nxt = tile_c0 + (h + 1) * G_STAGE
            src_load2 = pltpu.async_copy(src_hbm.at[pl.ds(nxt, G_STAGE)], src_v, isem)
            dst_load2 = pltpu.async_copy(dst_hbm.at[pl.ds(nxt, G_STAGE)], dst_v, isem)
            src_load2.wait()
            dst_load2.wait()
    plsc.subcore_barrier()
    pltpu.sync_copy(
        acc_sh.at[pl.ds(sid * ROWS_PER_TILE, ROWS_PER_TILE)],
        acc_out.at[pl.ds(sid * ROWS_PER_TILE, ROWS_PER_TILE), pl.ds(cid * DH, DH)],
    )


_FB = 400


def _fin_body(acc_ref, xs_ref, deg_ref, b_ref, o_ref):
    d = deg_ref[0, :, 0:1] + deg_ref[1, :, 0:1] + 1.0
    dinv = lax.rsqrt(d)
    y = (acc_ref[...] + xs_ref[...]) * dinv + b_ref[...]
    mu = jnp.mean(y, axis=1, keepdims=True)
    yc = y - mu
    var = jnp.mean(yc * yc, axis=1, keepdims=True)
    o = yc * lax.rsqrt(var + 1e-5)
    o_ref[...] = jnp.where(o >= 0.0, o, 0.2 * o)


def _fin_call(acc, xs, deg, b2):
    return pl.pallas_call(
        _fin_body,
        grid=(N // _FB,),
        in_specs=[
            pl.BlockSpec((_FB, D), lambda i: (i, 0)),
            pl.BlockSpec((_FB, D), lambda i: (i, 0)),
            pl.BlockSpec((NC, _FB, 16), lambda i: (0, i, 0)),
            pl.BlockSpec((1, D), lambda i: (0, 0)),
        ],
        out_specs=pl.BlockSpec((_FB, D), lambda i: (i, 0)),
        out_shape=jax.ShapeDtypeStruct((N, D), jnp.float32),
    )(acc, xs, deg, b2)


def kernel(x, edge_index, W, b):
    src = edge_index[0].astype(jnp.int32)
    dst = edge_index[1].astype(jnp.int32)
    pad = jnp.full((E_PAD - E,), DUMP, jnp.int32)
    src_p = jnp.concatenate([src, pad]).reshape(NTILES * G_PER_TILE, CHUNK)
    dst_p = jnp.concatenate([dst, pad]).reshape(NTILES * G_PER_TILE, CHUNK)
    x_p = jnp.pad(x, ((0, NPAD - N), (0, 0)))

    deg = _deg_call(dst_p)
    sig = _sigma_call(W)
    xs = _xs_call(x_p, W, sig, deg)
    acc = _acc_call(xs, src_p, dst_p)
    return _fin_call(acc, xs, deg, b.reshape(1, D))

# --- scband reference (transcript-rebuilt; emitter-appended) ---
"""Pipeline reference for scband-gcnblock-33818572488736 (READ-ONLY COPY).

The authoritative reference and input builder live on the scoring server;
editing this copy changes nothing except your own understanding.
"""

import jax, jax.numpy as jnp
import numpy as np

N_NODES = 10000
N_EDGES = 320000
D = 128

def setup_inputs(seed: int = 0) -> dict:
    key = jax.random.key(seed)
    k1, k2, k3 = jax.random.split(key, 3)
    x = jax.random.normal(k1, (N_NODES, D), dtype=jnp.float32)
    edge_index = jax.random.randint(k2, (2, N_EDGES), 0, N_NODES, dtype=jnp.int64)
    # GCNConv linear weight [out_channels, in_channels] (kaiming-ish init) and bias
    W = jax.random.normal(k3, (D, D), dtype=jnp.float32) * (1.0 / np.sqrt(D))
    b = jnp.zeros((D,), dtype=jnp.float32)
    return {"x": x, "edge_index": edge_index, "W": W, "b": b}

def reference(x, edge_index, W, b):
    N = x.shape[0]
    # spectral norm of the linear weight (power-iteration limit = top singular value)
    sigma = jnp.linalg.norm(W, ord=2)
    W_sn = W / sigma
    # GCNConv: lin first, then normalized propagate, then bias
    xw = x @ W_sn.T
    src = edge_index[0]
    dst = edge_index[1]
    loop = jnp.arange(N, dtype=edge_index.dtype)
    src = jnp.concatenate([src, loop])
    dst = jnp.concatenate([dst, loop])
    ew = jnp.ones(src.shape[0], dtype=xw.dtype)
    deg = jnp.zeros((N,), dtype=xw.dtype).at[dst].add(ew)
    deg_inv_sqrt = jnp.where(deg > 0, 1.0 / jnp.sqrt(deg), 0.0)
    norm = deg_inv_sqrt[src] * deg_inv_sqrt[dst]
    msg = xw[src] * norm[:, None]
    out = jnp.zeros_like(xw).at[dst].add(msg)
    out = out + b
    # InstanceNorm1d on [N, C] input (interpreted as (C, L)): normalize each row over features, eps=1e-5, no affine
    mean = out.mean(axis=1, keepdims=True)
    var = out.var(axis=1, keepdims=True)
    out = (out - mean) / jnp.sqrt(var + 1e-5)
    # LeakyReLU(0.2); dropout is identity in eval
    out = jnp.where(out >= 0, out, 0.2 * out)
    return out

if __name__ == "__main__":
    import jax
    _d = setup_inputs()
    print(jax.jit(kernel)(*tuple(_d.values())))

</pallas_src>

<mosaic_0001>
#map = affine_map<(d0, d1) -> (0, 0)>
#map1 = affine_map<(d0, d1) -> (0, 0, 0)>
module attributes {stable_mosaic.version = 14 : i64} {
  func.func @_deg_call(%arg0: i32, %arg1: i32, %arg2: memref<2688x128xi32, #tpu.memory_space<hbm>>, %arg3: memref<2x10240x16xf32, #tpu.memory_space<hbm>>, %arg4: memref<10240x16xf32, #tpu.memory_space<vmem_shared>>, %arg5: memref<128x16xf32, #tpu.memory_space<vmem>>, %arg6: memref<128x16xf32, #tpu.memory_space<vmem>>, %arg7: memref<84x128xi32, #tpu.memory_space<vmem>>, %arg8: memref<!tpu.dma_semaphore, #tpu.memory_space<semaphore_mem>>, %arg9: memref<!tpu.dma_semaphore, #tpu.memory_space<semaphore_mem>>) attributes {dimension_semantics = [#tpu.dimension_semantics<core_parallel>, #tpu.dimension_semantics<subcore_parallel>], iteration_bounds = array<i64: 2, 16>, scalar_prefetch = 0 : i64, scratch_operands = 6 : i64, tpu.core_type = #tpu.core_type<sc_vector_subcore>, window_params = [{transform_indices = #map}, {transform_indices = #map1}]} {
    %mul3A = arith.constant 16 : i32
    %mul3A_0 = arith.muli %arg0, %mul3A : i32
    %add3A = arith.addi %mul3A_0, %arg1 : i32
    %mul3A_1 = arith.constant 84 : i32
    %mul3A_2 = arith.muli %add3A, %mul3A_1 : i32
    %dma_start3A = arith.constant 0 : i32
    %dma_start3A_3 = tpu.memref_slice %arg2[%mul3A_2, %dma_start3A] : memref<2688x128xi32, #tpu.memory_space<hbm>> -> memref<84x128xi32, #tpu.memory_space<hbm>>
    %dma_start3A_4 = arith.constant 0 : i32
    %dma_start3A_5 = tpu.memref_slice %arg2[%mul3A_2, %dma_start3A_4] : memref<2688x128xi32, #tpu.memory_space<hbm>> -> memref<84x128xi32, #tpu.memory_space<hbm>>
    tpu.enqueue_dma source(%dma_start3A_5 : memref<84x128xi32, #tpu.memory_space<hbm>>) target(%arg7 : memref<84x128xi32, #tpu.memory_space<vmem>>) target_semaphore(%arg8 : memref<!tpu.dma_semaphore, #tpu.memory_space<semaphore_mem>>)
    %scan3A = arith.constant 0 : i32
    %scan3A_6 = arith.constant 0 : i32
    %scan3A_7 = arith.constant 128 : i32
    %scan3A_8 = arith.addi %scan3A_6, %scan3A_7 : i32
    %scan3A_9 = arith.constant 1 : i32
    %scan3A_10 = scf.for %scan3A_41 = %scan3A_6 to %scan3A_8 step %scan3A_9 iter_args(%scan3A_42 = %scan3A) -> (i32)  : i32 {
      %broadcast_in_dim3A = arith.constant 1.000000e+00 : f32
      %broadcast_in_dim3A_43 = vector.broadcast %broadcast_in_dim3A : f32 to vector<16xf32>
      %swap3A = arith.index_cast %scan3A_41 : i32 to index
      %swap3A_44 = arith.constant 0 : index
      %swap3A_45 = tpu.vector_load %arg5[%swap3A, %swap3A_44] {strides = array<i32>} : memref<128x16xf32, #tpu.memory_space<vmem>>, vector<1x16xf32>,
      %swap3A_46 = vector.shape_cast %swap3A_45 : vector<1x16xf32> to vector<16xf32>
      %swap3A_47 = vector.shape_cast %broadcast_in_dim3A_43 : vector<16xf32> to vector<1x16xf32>
      tpu.vector_store %arg5[%swap3A, %swap3A_44], %swap3A_47 {strides = array<i32>} : memref<128x16xf32, #tpu.memory_space<vmem>>, vector<1x16xf32>,
      %broadcast_in_dim3A_48 = arith.constant 0.000000e+00 : f32
      %broadcast_in_dim3A_49 = vector.broadcast %broadcast_in_dim3A_48 : f32 to vector<16xf32>
      %swap3A_50 = arith.index_cast %scan3A_41 : i32 to index
      %swap3A_51 = arith.constant 0 : index
      %swap3A_52 = tpu.vector_load %arg6[%swap3A_50, %swap3A_51] {strides = array<i32>} : memref<128x16xf32, #tpu.memory_space<vmem>>, vector<1x16xf32>,
      %swap3A_53 = vector.shape_cast %swap3A_52 : vector<1x16xf32> to vector<16xf32>
      %swap3A_54 = vector.shape_cast %broadcast_in_dim3A_49 : vector<16xf32> to vector<1x16xf32>
      tpu.vector_store %arg6[%swap3A_50, %swap3A_51], %swap3A_54 {strides = array<i32>} : memref<128x16xf32, #tpu.memory_space<vmem>>, vector<1x16xf32>,
      %scan3A_55 = arith.constant 0 : i32
      scf.yield %scan3A_55 : i32
    }
    %scan3A_11 = arith.constant 128 : i32
    %scan3A_12 = arith.constant 0 : i32
    %scan3A_13 = arith.constant 0 : i32
    %scan3A_14 = arith.constant 5 : i32
    %scan3A_15 = arith.addi %scan3A_13, %scan3A_14 : i32
    %scan3A_16 = arith.constant 1 : i32
    %scan3A_17 = scf.for %scan3A_41 = %scan3A_13 to %scan3A_15 step %scan3A_16 iter_args(%scan3A_42 = %scan3A_12) -> (i32)  : i32 {
      %mul3A_43 = arith.constant 640 : i32
      %mul3A_44 = arith.muli %arg1, %mul3A_43 : i32
      %mul3A_45 = arith.constant 128 : i32
      %mul3A_46 = arith.muli %scan3A_41, %mul3A_45 : i32
      %add3A_47 = arith.addi %mul3A_44, %mul3A_46 : i32
      "tpu.region"() ({
        %run_scoped3A = tpu.sem_alloc : memref<!tpu.dma_semaphore, #tpu.memory_space<semaphore_mem>>
        %dma_start3A_49 = arith.constant 0 : i32
        %dma_start3A_50 = tpu.memref_slice %arg4[%add3A_47, %dma_start3A_49] : memref<10240x16xf32, #tpu.memory_space<vmem_shared>> -> memref<128x16xf32, #tpu.memory_space<vmem_shared>>
        %dma_start3A_51 = arith.constant 0 : i32
        %dma_start3A_52 = tpu.memref_slice %arg4[%add3A_47, %dma_start3A_51] : memref<10240x16xf32, #tpu.memory_space<vmem_shared>> -> memref<128x16xf32, #tpu.memory_space<vmem_shared>>
        tpu.enqueue_dma source(%arg6 : memref<128x16xf32, #tpu.memory_space<vmem>>) target(%dma_start3A_52 : memref<128x16xf32, #tpu.memory_space<vmem_shared>>) target_semaphore(%run_scoped3A : memref<!tpu.dma_semaphore, #tpu.memory_space<semaphore_mem>>)
        %dma_wait3A_53 = arith.constant 0 : i32
        %dma_wait3A_54 = tpu.memref_slice %arg4[%add3A_47, %dma_wait3A_53] : memref<10240x16xf32, #tpu.memory_space<vmem_shared>> -> memref<128x16xf32, #tpu.memory_space<vmem_shared>>
        %dma_wait3A_55 = arith.constant 0 : i32
        %dma_wait3A_56 = tpu.memref_slice %arg4[%add3A_47, %dma_wait3A_55] : memref<10240x16xf32, #tpu.memory_space<vmem_shared>> -> memref<128x16xf32, #tpu.memory_space<vmem_shared>>
        tpu.wait_dma2 semaphore(%run_scoped3A : memref<!tpu.dma_semaphore, #tpu.memory_space<semaphore_mem>>) src(%arg6 : memref<128x16xf32, #tpu.memory_space<vmem>>) dst(%dma_wait3A_56 : memref<128x16xf32, #tpu.memory_space<vmem_shared>>)
        tpu.yield
      }) : () -> ()
      %scan3A_48 = arith.constant 0 : i32
      scf.yield %scan3A_48 : i32
    }
    %scan3A_18 = arith.constant 5 : i32
    %dma_wait3A = arith.constant 0 : i32
    %dma_wait3A_19 = tpu.memref_slice %arg2[%mul3A_2, %dma_wait3A] : memref<2688x128xi32, #tpu.memory_space<hbm>> -> memref<84x128xi32, #tpu.memory_space<hbm>>
    %dma_wait3A_20 = arith.constant 0 : i32
    %dma_wait3A_21 = tpu.memref_slice %arg2[%mul3A_2, %dma_wait3A_20] : memref<2688x128xi32, #tpu.memory_space<hbm>> -> memref<84x128xi32, #tpu.memory_space<hbm>>
    tpu.wait_dma2 semaphore(%arg8 : memref<!tpu.dma_semaphore, #tpu.memory_space<semaphore_mem>>) src(%dma_wait3A_21 : memref<84x128xi32, #tpu.memory_space<hbm>>) dst(%arg7 : memref<84x128xi32, #tpu.memory_space<vmem>>)
    %barrier3A = arith.constant 0 : index
    tpu.barrier barrier_id(%barrier3A)
    %scan3A_22 = arith.constant 0 : i32
    %scan3A_23 = arith.constant 0 : i32
    %scan3A_24 = arith.constant 84 : i32
    %scan3A_25 = arith.addi %scan3A_23, %scan3A_24 : i32
    %scan3A_26 = arith.constant 1 : i32
    %scan3A_27 = scf.for %scan3A_41 = %scan3A_23 to %scan3A_25 step %scan3A_26 iter_args(%scan3A_42 = %scan3A_22) -> (i32)  : i32 {
      %dma_start3A_43 = arith.constant 0 : i32
      %dma_start3A_44 = tpu.memref_slice %arg7[%scan3A_41, %dma_start3A_43] : memref<84x128xi32, #tpu.memory_space<vmem>> -> memref<1x128xi32, #tpu.memory_space<vmem>>
      %dma_start3A_45 = tpu.memref_squeeze %dma_start3A_44 : memref<1x128xi32, #tpu.memory_space<vmem>> -> memref<128xi32, #tpu.memory_space<vmem>>
      %dma_start3A_46 = arith.constant 0 : i32
      %dma_start3A_47 = arith.constant 0 : i32
      %dma_start3A_48 = tpu.memref_slice %arg4[%dma_start3A_46, %dma_start3A_47] : memref<10240x16xf32, #tpu.memory_space<vmem_shared>> -> memref<10240x16xf32, #tpu.memory_space<vmem_shared>>
      tpu.enqueue_indirect_dma source(%arg5 : memref<128x16xf32, #tpu.memory_space<vmem>>) target(%dma_start3A_48 : memref<10240x16xf32, #tpu.memory_space<vmem_shared>>) offsets(%dma_start3A_45 : memref<128xi32, #tpu.memory_space<vmem>>) semaphore(%arg9 : memref<!tpu.dma_semaphore, #tpu.memory_space<semaphore_mem>>) {add = true}
      %scan3A_49 = arith.constant 0 : i32
      scf.yield %scan3A_49 : i32
    }
    %scan3A_28 = arith.constant 84 : i32
    %scan3A_29 = arith.constant 0 : i32
    %scan3A_30 = arith.constant 0 : i32
    %scan3A_31 = arith.constant 84 : i32
    %scan3A_32 = arith.addi %scan3A_30, %scan3A_31 : i32
    %scan3A_33 = arith.constant 1 : i32
    %scan3A_34 = scf.for %scan3A_41 = %scan3A_30 to %scan3A_32 step %scan3A_33 iter_args(%scan3A_42 = %scan3A_29) -> (i32)  : i32 {
      %dma_wait3A_43 = arith.constant 0 : i32
      %dma_wait3A_44 = arith.constant 0 : i32
      %dma_wait3A_45 = tpu.memref_slice %arg7[%dma_wait3A_43, %dma_wait3A_44] : memref<84x128xi32, #tpu.memory_space<vmem>> -> memref<1x128xi32, #tpu.memory_space<vmem>>
      %dma_wait3A_46 = tpu.memref_squeeze %dma_wait3A_45 : memref<1x128xi32, #tpu.memory_space<vmem>> -> memref<128xi32, #tpu.memory_space<vmem>>
      %dma_wait3A_47 = arith.constant 0 : i32
      %dma_wait3A_48 = arith.constant 0 : i32
      %dma_wait3A_49 = tpu.memref_slice %arg4[%dma_wait3A_47, %dma_wait3A_48] : memref<10240x16xf32, #tpu.memory_space<vmem_shared>> -> memref<10240x16xf32, #tpu.memory_space<vmem_shared>>
      tpu.wait_indirect_dma semaphore(%arg9 : memref<!tpu.dma_semaphore, #tpu.memory_space<semaphore_mem>>) src(%arg5 : memref<128x16xf32, #tpu.memory_space<vmem>>) dst(%dma_wait3A_49 : memref<10240x16xf32, #tpu.memory_space<vmem_shared>>)
      %scan3A_50 = arith.constant 0 : i32
      scf.yield %scan3A_50 : i32
    }
    %scan3A_35 = arith.constant 84 : i32
    %barrier3A_36 = arith.constant 0 : index
    tpu.barrier barrier_id(%barrier3A_36)
    %mul3A_37 = arith.constant 640 : i32
    %mul3A_38 = arith.muli %arg1, %mul3A_37 : i32
    %mul3A_39 = arith.constant 640 : i32
    %mul3A_40 = arith.muli %arg1, %mul3A_39 : i32
    "tpu.region"() ({
      %run_scoped3A = tpu.sem_alloc : memref<!tpu.dma_semaphore, #tpu.memory_space<semaphore_mem>>
      %dma_start3A_41 = arith.constant 0 : i32
      %dma_start3A_42 = tpu.memref_slice %arg3[%arg0, %mul3A_40, %dma_start3A_41] : memref<2x10240x16xf32, #tpu.memory_space<hbm>> -> memref<1x640x16xf32, #tpu.memory_space<hbm>>
      %dma_start3A_43 = tpu.memref_squeeze %dma_start3A_42 : memref<1x640x16xf32, #tpu.memory_space<hbm>> -> memref<640x16xf32, #tpu.memory_space<hbm>>
      %dma_start3A_44 = arith.constant 0 : i32
      %dma_start3A_45 = tpu.memref_slice %arg4[%mul3A_38, %dma_start3A_44] : memref<10240x16xf32, #tpu.memory_space<vmem_shared>> -> memref<640x16xf32, #tpu.memory_space<vmem_shared>>
      tpu.enqueue_dma source(%dma_start3A_45 : memref<640x16xf32, #tpu.memory_space<vmem_shared>>) target(%dma_start3A_43 : memref<640x16xf32, #tpu.memory_space<hbm>>) target_semaphore(%run_scoped3A : memref<!tpu.dma_semaphore, #tpu.memory_space<semaphore_mem>>)
      %dma_wait3A_46 = arith.constant 0 : i32
      %dma_wait3A_47 = tpu.memref_slice %arg3[%arg0, %mul3A_40, %dma_wait3A_46] : memref<2x10240x16xf32, #tpu.memory_space<hbm>> -> memref<1x640x16xf32, #tpu.memory_space<hbm>>
      %dma_wait3A_48 = tpu.memref_squeeze %dma_wait3A_47 : memref<1x640x16xf32, #tpu.memory_space<hbm>> -> memref<640x16xf32, #tpu.memory_space<hbm>>
      %dma_wait3A_49 = arith.constant 0 : i32
      %dma_wait3A_50 = tpu.memref_slice %arg4[%mul3A_38, %dma_wait3A_49] : memref<10240x16xf32, #tpu.memory_space<vmem_shared>> -> memref<640x16xf32, #tpu.memory_space<vmem_shared>>
      tpu.wait_dma2 semaphore(%run_scoped3A : memref<!tpu.dma_semaphore, #tpu.memory_space<semaphore_mem>>) src(%dma_wait3A_50 : memref<640x16xf32, #tpu.memory_space<vmem_shared>>) dst(%dma_wait3A_48 : memref<640x16xf32, #tpu.memory_space<hbm>>)
      tpu.yield
    }) : () -> ()
    return
  }
}

#map = affine_map<(d0, d1) -> (0, 0)>
module attributes {stable_mosaic.version = 14 : i64} {
  func.func @_acc_call(%arg0: i32, %arg1: i32, %arg2: memref<10240x128xf32, #tpu.memory_space<hbm>>, %arg3: memref<2688x128xi32, #tpu.memory_space<hbm>>, %arg4: memref<2688x128xi32, #tpu.memory_space<hbm>>, %arg5: memref<10240x128xf32, #tpu.memory_space<hbm>>, %arg6: memref<10240x64xf32, #tpu.memory_space<vmem_shared>>, %arg7: memref<10240x64xf32, #tpu.memory_space<vmem_shared>>, %arg8: memref<128x64xf32, #tpu.memory_space<vmem>>, %arg9: memref<128x64xf32, #tpu.memory_space<vmem>>, %arg10: memref<42x128xi32, #tpu.memory_space<vmem>>, %arg11: memref<42x128xi32, #tpu.memory_space<vmem>>, %arg12: memref<!tpu.dma_semaphore, #tpu.memory_space<semaphore_mem>>, %arg13: memref<!tpu.dma_semaphore, #tpu.memory_space<semaphore_mem>>, %arg14: memref<!tpu.dma_semaphore, #tpu.memory_space<semaphore_mem>>) attributes {dimension_semantics = [#tpu.dimension_semantics<core_parallel>, #tpu.dimension_semantics<subcore_parallel>], iteration_bounds = array<i64: 2, 16>, scalar_prefetch = 0 : i64, scratch_operands = 9 : i64, tpu.core_type = #tpu.core_type<sc_vector_subcore>, window_params = [{transform_indices = #map}, {transform_indices = #map}, {transform_indices = #map}, {transform_indices = #map}]} {
    %mul3A = arith.constant 168 : i32
    %mul3A_0 = arith.muli %arg1, %mul3A : i32
    %dma_start3A = arith.constant 0 : i32
    %dma_start3A_1 = tpu.memref_slice %arg3[%mul3A_0, %dma_start3A] : memref<2688x128xi32, #tpu.memory_space<hbm>> -> memref<42x128xi32, #tpu.memory_space<hbm>>
    %dma_start3A_2 = arith.constant 0 : i32
    %dma_start3A_3 = tpu.memref_slice %arg3[%mul3A_0, %dma_start3A_2] : memref<2688x128xi32, #tpu.memory_space<hbm>> -> memref<42x128xi32, #tpu.memory_space<hbm>>
    tpu.enqueue_dma source(%dma_start3A_3 : memref<42x128xi32, #tpu.memory_space<hbm>>) target(%arg10 : memref<42x128xi32, #tpu.memory_space<vmem>>) target_semaphore(%arg14 : memref<!tpu.dma_semaphore, #tpu.memory_space<semaphore_mem>>)
    %dma_start3A_4 = arith.constant 0 : i32
    %dma_start3A_5 = tpu.memref_slice %arg4[%mul3A_0, %dma_start3A_4] : memref<2688x128xi32, #tpu.memory_space<hbm>> -> memref<42x128xi32, #tpu.memory_space<hbm>>
    %dma_start3A_6 = arith.constant 0 : i32
    %dma_start3A_7 = tpu.memref_slice %arg4[%mul3A_0, %dma_start3A_6] : memref<2688x128xi32, #tpu.memory_space<hbm>> -> memref<42x128xi32, #tpu.memory_space<hbm>>
    tpu.enqueue_dma source(%dma_start3A_7 : memref<42x128xi32, #tpu.memory_space<hbm>>) target(%arg11 : memref<42x128xi32, #tpu.memory_space<vmem>>) target_semaphore(%arg14 : memref<!tpu.dma_semaphore, #tpu.memory_space<semaphore_mem>>)
    %mul3A_8 = arith.constant 640 : i32
    %mul3A_9 = arith.muli %arg1, %mul3A_8 : i32
    %mul3A_10 = arith.constant 64 : i32
    %mul3A_11 = arith.muli %arg0, %mul3A_10 : i32
    %mul3A_12 = arith.constant 640 : i32
    %mul3A_13 = arith.muli %arg1, %mul3A_12 : i32
    "tpu.region"() ({
      %run_scoped3A = tpu.sem_alloc : memref<!tpu.dma_semaphore, #tpu.memory_space<semaphore_mem>>
      %dma_start3A_150 = arith.constant 0 : i32
      %dma_start3A_151 = tpu.memref_slice %arg6[%mul3A_13, %dma_start3A_150] : memref<10240x64xf32, #tpu.memory_space<vmem_shared>> -> memref<640x64xf32, #tpu.memory_space<vmem_shared>>
      %dma_start3A_152 = tpu.memref_slice %arg2[%mul3A_9, %mul3A_11] : memref<10240x128xf32, #tpu.memory_space<hbm>> -> memref<640x64xf32, #tpu.memory_space<hbm>>
      tpu.enqueue_dma source(%dma_start3A_152 : memref<640x64xf32, #tpu.memory_space<hbm>>) target(%dma_start3A_151 : memref<640x64xf32, #tpu.memory_space<vmem_shared>>) target_semaphore(%run_scoped3A : memref<!tpu.dma_semaphore, #tpu.memory_space<semaphore_mem>>)
      %dma_wait3A_153 = arith.constant 0 : i32
      %dma_wait3A_154 = tpu.memref_slice %arg6[%mul3A_13, %dma_wait3A_153] : memref<10240x64xf32, #tpu.memory_space<vmem_shared>> -> memref<640x64xf32, #tpu.memory_space<vmem_shared>>
      %dma_wait3A_155 = tpu.memref_slice %arg2[%mul3A_9, %mul3A_11] : memref<10240x128xf32, #tpu.memory_space<hbm>> -> memref<640x64xf32, #tpu.memory_space<hbm>>
      tpu.wait_dma2 semaphore(%run_scoped3A : memref<!tpu.dma_semaphore, #tpu.memory_space<semaphore_mem>>) src(%dma_wait3A_155 : memref<640x64xf32, #tpu.memory_space<hbm>>) dst(%dma_wait3A_154 : memref<640x64xf32, #tpu.memory_space<vmem_shared>>)
      tpu.yield
    }) : () -> ()
    %scan3A = arith.constant 0 : i32
    %scan3A_14 = arith.constant 0 : i32
    %scan3A_15 = arith.constant 512 : i32
    %scan3A_16 = arith.addi %scan3A_14, %scan3A_15 : i32
    %scan3A_17 = arith.constant 1 : i32
    %scan3A_18 = scf.for %scan3A_150 = %scan3A_14 to %scan3A_16 step %scan3A_17 iter_args(%scan3A_151 = %scan3A) -> (i32)  : i32 {
      %broadcast_in_dim3A = arith.constant 0.000000e+00 : f32
      %broadcast_in_dim3A_152 = vector.broadcast %broadcast_in_dim3A : f32 to vector<16xf32>
      %jit3A = arith.constant 4 : i32
      %div3A = arith.divsi %scan3A_150, %jit3A : i32
      %sign3A = arith.constant 0 : i32
      %sign3A_153 = arith.cmpi sgt, %scan3A_150, %sign3A : i32
      %sign3A_154 = arith.extui %sign3A_153 : i1 to i32
      %sign3A_155 = arith.constant 0 : i32
      %sign3A_156 = arith.cmpi slt, %scan3A_150, %sign3A_155 : i32
      %sign3A_157 = arith.extui %sign3A_156 : i1 to i32
      %sign3A_158 = arith.subi %sign3A_154, %sign3A_157 : i32
      %sign3A_159 = arith.constant 0 : i32
      %sign3A_160 = arith.cmpi sgt, %jit3A, %sign3A_159 : i32
      %sign3A_161 = arith.extui %sign3A_160 : i1 to i32
      %sign3A_162 = arith.constant 0 : i32
      %sign3A_163 = arith.cmpi slt, %jit3A, %sign3A_162 : i32
      %sign3A_164 = arith.extui %sign3A_163 : i1 to i32
      %sign3A_165 = arith.subi %sign3A_161, %sign3A_164 : i32
      %ne3A = arith.cmpi ne, %sign3A_158, %sign3A_165 : i32
      %rem3A = arith.remsi %scan3A_150, %jit3A : i32
      %ne3A_166 = arith.constant 0 : i32
      %ne3A_167 = arith.cmpi ne, %rem3A, %ne3A_166 : i32
      %and3A = arith.andi %ne3A, %ne3A_167 : i1
      %sub3A = arith.constant 1 : i32
      %sub3A_168 = arith.subi %div3A, %sub3A : i32
      %select_n3A = arith.select %and3A, %sub3A_168, %div3A : i32
      %jit3A_169 = arith.constant 4 : i32
      %eq3A = arith.constant 0 : i32
      %eq3A_170 = arith.cmpi eq, %jit3A_169, %eq3A : i32
      %jit3A_171 = arith.constant 1 : i32
      %select_n3A_172 = arith.select %eq3A_170, %jit3A_171, %jit3A_169 : i32
      %rem3A_173 = arith.remsi %scan3A_150, %select_n3A_172 : i32
      %ne3A_174 = arith.constant 0 : i32
      %ne3A_175 = arith.cmpi ne, %rem3A_173, %ne3A_174 : i32
      %lt3A = arith.constant 0 : i32
      %lt3A_176 = arith.cmpi slt, %rem3A_173, %lt3A : i32
      %lt3A_177 = arith.constant 0 : i32
      %lt3A_178 = arith.cmpi slt, %select_n3A_172, %lt3A_177 : i32
      %ne3A_179 = arith.xori %lt3A_176, %lt3A_178 : i1
      %and3A_180 = arith.andi %ne3A_179, %ne3A_175 : i1
      %add3A_181 = arith.addi %rem3A_173, %select_n3A_172 : i32
      %select_n3A_182 = arith.select %and3A_180, %add3A_181, %rem3A_173 : i32
      %mul3A_183 = arith.constant 16 : i32
      %mul3A_184 = arith.muli %select_n3A_182, %mul3A_183 : i32
      %swap3A = arith.index_cast %select_n3A : i32 to index
      %swap3A_185 = arith.index_cast %mul3A_184 : i32 to index
      %swap3A_186 = tpu.vector_load %arg8[%swap3A, %swap3A_185] {strides = array<i32>} : memref<128x64xf32, #tpu.memory_space<vmem>>, vector<1x16xf32>,
      %swap3A_187 = vector.shape_cast %swap3A_186 : vector<1x16xf32> to vector<16xf32>
      %swap3A_188 = vector.shape_cast %broadcast_in_dim3A_152 : vector<16xf32> to vector<1x16xf32>
      tpu.vector_store %arg8[%swap3A, %swap3A_185], %swap3A_188 {strides = array<i32>} : memref<128x64xf32, #tpu.memory_space<vmem>>, vector<1x16xf32>,
      %scan3A_189 = arith.constant 0 : i32
      scf.yield %scan3A_189 : i32
    }
    %scan3A_19 = arith.constant 512 : i32
    %scan3A_20 = arith.constant 0 : i32
    %scan3A_21 = arith.constant 0 : i32
    %scan3A_22 = arith.constant 5 : i32
    %scan3A_23 = arith.addi %scan3A_21, %scan3A_22 : i32
    %scan3A_24 = arith.constant 1 : i32
    %scan3A_25 = scf.for %scan3A_150 = %scan3A_21 to %scan3A_23 step %scan3A_24 iter_args(%scan3A_151 = %scan3A_20) -> (i32)  : i32 {
      %mul3A_152 = arith.constant 640 : i32
      %mul3A_153 = arith.muli %arg1, %mul3A_152 : i32
      %mul3A_154 = arith.constant 128 : i32
      %mul3A_155 = arith.muli %scan3A_150, %mul3A_154 : i32
      %add3A_156 = arith.addi %mul3A_153, %mul3A_155 : i32
      "tpu.region"() ({
        %run_scoped3A = tpu.sem_alloc : memref<!tpu.dma_semaphore, #tpu.memory_space<semaphore_mem>>
        %dma_start3A_158 = arith.constant 0 : i32
        %dma_start3A_159 = tpu.memref_slice %arg7[%add3A_156, %dma_start3A_158] : memref<10240x64xf32, #tpu.memory_space<vmem_shared>> -> memref<128x64xf32, #tpu.memory_space<vmem_shared>>
        %dma_start3A_160 = arith.constant 0 : i32
        %dma_start3A_161 = tpu.memref_slice %arg7[%add3A_156, %dma_start3A_160] : memref<10240x64xf32, #tpu.memory_space<vmem_shared>> -> memref<128x64xf32, #tpu.memory_space<vmem_shared>>
        tpu.enqueue_dma source(%arg8 : memref<128x64xf32, #tpu.memory_space<vmem>>) target(%dma_start3A_161 : memref<128x64xf32, #tpu.memory_space<vmem_shared>>) target_semaphore(%run_scoped3A : memref<!tpu.dma_semaphore, #tpu.memory_space<semaphore_mem>>)
        %dma_wait3A_162 = arith.constant 0 : i32
        %dma_wait3A_163 = tpu.memref_slice %arg7[%add3A_156, %dma_wait3A_162] : memref<10240x64xf32, #tpu.memory_space<vmem_shared>> -> memref<128x64xf32, #tpu.memory_space<vmem_shared>>
        %dma_wait3A_164 = arith.constant 0 : i32
        %dma_wait3A_165 = tpu.memref_slice %arg7[%add3A_156, %dma_wait3A_164] : memref<10240x64xf32, #tpu.memory_space<vmem_shared>> -> memref<128x64xf32, #tpu.memory_space<vmem_shared>>
        tpu.wait_dma2 semaphore(%run_scoped3A : memref<!tpu.dma_semaphore, #tpu.memory_space<semaphore_mem>>) src(%arg8 : memref<128x64xf32, #tpu.memory_space<vmem>>) dst(%dma_wait3A_165 : memref<128x64xf32, #tpu.memory_space<vmem_shared>>)
        tpu.yield
      }) : () -> ()
      %scan3A_157 = arith.constant 0 : i32
      scf.yield %scan3A_157 : i32
    }
    %scan3A_26 = arith.constant 5 : i32
    %dma_wait3A = arith.constant 0 : i32
    %dma_wait3A_27 = tpu.memref_slice %arg3[%mul3A_0, %dma_wait3A] : memref<2688x128xi32, #tpu.memory_space<hbm>> -> memref<42x128xi32, #tpu.memory_space<hbm>>
    %dma_wait3A_28 = arith.constant 0 : i32
    %dma_wait3A_29 = tpu.memref_slice %arg3[%mul3A_0, %dma_wait3A_28] : memref<2688x128xi32, #tpu.memory_space<hbm>> -> memref<42x128xi32, #tpu.memory_space<hbm>>
    tpu.wait_dma2 semaphore(%arg14 : memref<!tpu.dma_semaphore, #tpu.memory_space<semaphore_mem>>) src(%dma_wait3A_29 : memref<42x128xi32, #tpu.memory_space<hbm>>) dst(%arg10 : memref<42x128xi32, #tpu.memory_space<vmem>>)
    %dma_wait3A_30 = arith.constant 0 : i32
    %dma_wait3A_31 = tpu.memref_slice %arg4[%mul3A_0, %dma_wait3A_30] : memref<2688x128xi32, #tpu.memory_space<hbm>> -> memref<42x128xi32, #tpu.memory_space<hbm>>
    %dma_wait3A_32 = arith.constant 0 : i32
    %dma_wait3A_33 = tpu.memref_slice %arg4[%mul3A_0, %dma_wait3A_32] : memref<2688x128xi32, #tpu.memory_space<hbm>> -> memref<42x128xi32, #tpu.memory_space<hbm>>
    tpu.wait_dma2 semaphore(%arg14 : memref<!tpu.dma_semaphore, #tpu.memory_space<semaphore_mem>>) src(%dma_wait3A_33 : memref<42x128xi32, #tpu.memory_space<hbm>>) dst(%arg11 : memref<42x128xi32, #tpu.memory_space<vmem>>)
    %barrier3A = arith.constant 0 : index
    tpu.barrier barrier_id(%barrier3A)
    %dma_start3A_34 = arith.constant 0 : i32
    %dma_start3A_35 = arith.constant 0 : i32
    %dma_start3A_36 = tpu.memref_slice %arg10[%dma_start3A_34, %dma_start3A_35] : memref<42x128xi32, #tpu.memory_space<vmem>> -> memref<1x128xi32, #tpu.memory_space<vmem>>
    %dma_start3A_37 = tpu.memref_squeeze %dma_start3A_36 : memref<1x128xi32, #tpu.memory_space<vmem>> -> memref<128xi32, #tpu.memory_space<vmem>>
    %dma_start3A_38 = arith.constant 0 : i32
    %dma_start3A_39 = arith.constant 0 : i32
    %dma_start3A_40 = tpu.memref_slice %arg6[%dma_start3A_38, %dma_start3A_39] : memref<10240x64xf32, #tpu.memory_space<vmem_shared>> -> memref<10240x64xf32, #tpu.memory_space<vmem_shared>>
    tpu.enqueue_indirect_dma source(%dma_start3A_40 : memref<10240x64xf32, #tpu.memory_space<vmem_shared>>) target(%arg8 : memref<128x64xf32, #tpu.memory_space<vmem>>) offsets(%dma_start3A_37 : memref<128xi32, #tpu.memory_space<vmem>>) semaphore(%arg12 : memref<!tpu.dma_semaphore, #tpu.memory_space<semaphore_mem>>)
    %scan3A_41 = arith.constant 0 : i32
    %scan3A_42 = arith.constant 0 : i32
    %scan3A_43 = arith.constant 21 : i32
    %scan3A_44 = arith.addi %scan3A_42, %scan3A_43 : i32
    %scan3A_45 = arith.constant 1 : i32
    %scan3A_46 = scf.for %scan3A_150 = %scan3A_42 to %scan3A_44 step %scan3A_45 iter_args(%scan3A_151 = %scan3A_41) -> (i32)  : i32 {
      %mul3A_152 = arith.constant 2 : i32
      %mul3A_153 = arith.muli %scan3A_150, %mul3A_152 : i32
      %dma_wait3A_154 = arith.constant 0 : i32
      %dma_wait3A_155 = tpu.memref_slice %arg10[%mul3A_153, %dma_wait3A_154] : memref<42x128xi32, #tpu.memory_space<vmem>> -> memref<1x128xi32, #tpu.memory_space<vmem>>
      %dma_wait3A_156 = tpu.memref_squeeze %dma_wait3A_155 : memref<1x128xi32, #tpu.memory_space<vmem>> -> memref<128xi32, #tpu.memory_space<vmem>>
      %dma_wait3A_157 = arith.constant 0 : i32
      %dma_wait3A_158 = arith.constant 0 : i32
      %dma_wait3A_159 = tpu.memref_slice %arg6[%dma_wait3A_157, %dma_wait3A_158] : memref<10240x64xf32, #tpu.memory_space<vmem_shared>> -> memref<10240x64xf32, #tpu.memory_space<vmem_shared>>
      tpu.wait_indirect_dma semaphore(%arg12 : memref<!tpu.dma_semaphore, #tpu.memory_space<semaphore_mem>>) src(%dma_wait3A_159 : memref<10240x64xf32, #tpu.memory_space<vmem_shared>>) dst(%arg8 : memref<128x64xf32, #tpu.memory_space<vmem>>)
      %add3A_160 = arith.constant 1 : i32
      %add3A_161 = arith.addi %mul3A_153, %add3A_160 : i32
      %dma_start3A_162 = arith.constant 0 : i32
      %dma_start3A_163 = tpu.memref_slice %arg10[%add3A_161, %dma_start3A_162] : memref<42x128xi32, #tpu.memory_space<vmem>> -> memref<1x128xi32, #tpu.memory_space<vmem>>
      %dma_start3A_164 = tpu.memref_squeeze %dma_start3A_163 : memref<1x128xi32, #tpu.memory_space<vmem>> -> memref<128xi32, #tpu.memory_space<vmem>>
      %dma_start3A_165 = arith.constant 0 : i32
      %dma_start3A_166 = arith.constant 0 : i32
      %dma_start3A_167 = tpu.memref_slice %arg6[%dma_start3A_165, %dma_start3A_166] : memref<10240x64xf32, #tpu.memory_space<vmem_shared>> -> memref<10240x64xf32, #tpu.memory_space<vmem_shared>>
      tpu.enqueue_indirect_dma source(%dma_start3A_167 : memref<10240x64xf32, #tpu.memory_space<vmem_shared>>) target(%arg9 : memref<128x64xf32, #tpu.memory_space<vmem>>) offsets(%dma_start3A_164 : memref<128xi32, #tpu.memory_space<vmem>>) semaphore(%arg13 : memref<!tpu.dma_semaphore, #tpu.memory_space<semaphore_mem>>)
      "tpu.region"() ({
        %run_scoped3A = tpu.sem_alloc : memref<!tpu.dma_semaphore, #tpu.memory_space<semaphore_mem>>
        %dma_start3A_181 = arith.constant 0 : i32
        %dma_start3A_182 = tpu.memref_slice %arg11[%mul3A_153, %dma_start3A_181] : memref<42x128xi32, #tpu.memory_space<vmem>> -> memref<1x128xi32, #tpu.memory_space<vmem>>
        %dma_start3A_183 = tpu.memref_squeeze %dma_start3A_182 : memref<1x128xi32, #tpu.memory_space<vmem>> -> memref<128xi32, #tpu.memory_space<vmem>>
        %dma_start3A_184 = arith.constant 0 : i32
        %dma_start3A_185 = arith.constant 0 : i32
        %dma_start3A_186 = tpu.memref_slice %arg7[%dma_start3A_184, %dma_start3A_185] : memref<10240x64xf32, #tpu.memory_space<vmem_shared>> -> memref<10240x64xf32, #tpu.memory_space<vmem_shared>>
        tpu.enqueue_indirect_dma source(%arg8 : memref<128x64xf32, #tpu.memory_space<vmem>>) target(%dma_start3A_186 : memref<10240x64xf32, #tpu.memory_space<vmem_shared>>) offsets(%dma_start3A_183 : memref<128xi32, #tpu.memory_space<vmem>>) semaphore(%run_scoped3A : memref<!tpu.dma_semaphore, #tpu.memory_space<semaphore_mem>>) {add = true}
        %dma_wait3A_187 = arith.constant 0 : i32
        %dma_wait3A_188 = tpu.memref_slice %arg11[%mul3A_153, %dma_wait3A_187] : memref<42x128xi32, #tpu.memory_space<vmem>> -> memref<1x128xi32, #tpu.memory_space<vmem>>
        %dma_wait3A_189 = tpu.memref_squeeze %dma_wait3A_188 : memref<1x128xi32, #tpu.memory_space<vmem>> -> memref<128xi32, #tpu.memory_space<vmem>>
        %dma_wait3A_190 = arith.constant 0 : i32
        %dma_wait3A_191 = arith.constant 0 : i32
        %dma_wait3A_192 = tpu.memref_slice %arg7[%dma_wait3A_190, %dma_wait3A_191] : memref<10240x64xf32, #tpu.memory_space<vmem_shared>> -> memref<10240x64xf32, #tpu.memory_space<vmem_shared>>
        tpu.wait_indirect_dma semaphore(%run_scoped3A : memref<!tpu.dma_semaphore, #tpu.memory_space<semaphore_mem>>) src(%arg8 : memref<128x64xf32, #tpu.memory_space<vmem>>) dst(%dma_wait3A_192 : memref<10240x64xf32, #tpu.memory_space<vmem_shared>>)
        tpu.yield
      }) : () -> ()
      %lt3A = arith.constant 20 : i32
      %lt3A_168 = arith.cmpi slt, %scan3A_150, %lt3A : i32
      %convert_element_type3A = arith.extui %lt3A_168 : i1 to i32
      %cond3A = arith.constant 0 : i32
      %cond3A_169 = arith.cmpi ne, %convert_element_type3A, %cond3A : i32
      scf.if %cond3A_169 {
        %add3A_181 = arith.constant 2 : i32
        %add3A_182 = arith.addi %mul3A_153, %add3A_181 : i32
        %dma_start3A_183 = arith.constant 0 : i32
        %dma_start3A_184 = tpu.memref_slice %arg10[%add3A_182, %dma_start3A_183] : memref<42x128xi32, #tpu.memory_space<vmem>> -> memref<1x128xi32, #tpu.memory_space<vmem>>
        %dma_start3A_185 = tpu.memref_squeeze %dma_start3A_184 : memref<1x128xi32, #tpu.memory_space<vmem>> -> memref<128xi32, #tpu.memory_space<vmem>>
        %dma_start3A_186 = arith.constant 0 : i32
        %dma_start3A_187 = arith.constant 0 : i32
        %dma_start3A_188 = tpu.memref_slice %arg6[%dma_start3A_186, %dma_start3A_187] : memref<10240x64xf32, #tpu.memory_space<vmem_shared>> -> memref<10240x64xf32, #tpu.memory_space<vmem_shared>>
        tpu.enqueue_indirect_dma source(%dma_start3A_188 : memref<10240x64xf32, #tpu.memory_space<vmem_shared>>) target(%arg8 : memref<128x64xf32, #tpu.memory_space<vmem>>) offsets(%dma_start3A_185 : memref<128xi32, #tpu.memory_space<vmem>>) semaphore(%arg12 : memref<!tpu.dma_semaphore, #tpu.memory_space<semaphore_mem>>)
      } else {
      }
      %add3A_170 = arith.constant 1 : i32
      %add3A_171 = arith.addi %mul3A_153, %add3A_170 : i32
      %dma_wait3A_172 = arith.constant 0 : i32
      %dma_wait3A_173 = tpu.memref_slice %arg10[%add3A_171, %dma_wait3A_172] : memref<42x128xi32, #tpu.memory_space<vmem>> -> memref<1x128xi32, #tpu.memory_space<vmem>>
      %dma_wait3A_174 = tpu.memref_squeeze %dma_wait3A_173 : memref<1x128xi32, #tpu.memory_space<vmem>> -> memref<128xi32, #tpu.memory_space<vmem>>
      %dma_wait3A_175 = arith.constant 0 : i32
      %dma_wait3A_176 = arith.constant 0 : i32
      %dma_wait3A_177 = tpu.memref_slice %arg6[%dma_wait3A_175, %dma_wait3A_176] : memref<10240x64xf32, #tpu.memory_space<vmem_shared>> -> memref<10240x64xf32, #tpu.memory_space<vmem_shared>>
      tpu.wait_indirect_dma semaphore(%arg13 : memref<!tpu.dma_semaphore, #tpu.memory_space<semaphore_mem>>) src(%dma_wait3A_177 : memref<10240x64xf32, #tpu.memory_space<vmem_shared>>) dst(%arg9 : memref<128x64xf32, #tpu.memory_space<vmem>>)
      %add3A_178 = arith.constant 1 : i32
      %add3A_179 = arith.addi %mul3A_153, %add3A_178 : i32
      "tpu.region"() ({
        %run_scoped3A = tpu.sem_alloc : memref<!tpu.dma_semaphore, #tpu.memory_space<semaphore_mem>>
        %dma_start3A_181 = arith.constant 0 : i32
        %dma_start3A_182 = tpu.memref_slice %arg11[%add3A_179, %dma_start3A_181] : memref<42x128xi32, #tpu.memory_space<vmem>> -> memref<1x128xi32, #tpu.memory_space<vmem>>
        %dma_start3A_183 = tpu.memref_squeeze %dma_start3A_182 : memref<1x128xi32, #tpu.memory_space<vmem>> -> memref<128xi32, #tpu.memory_space<vmem>>
        %dma_start3A_184 = arith.constant 0 : i32
        %dma_start3A_185 = arith.constant 0 : i32
        %dma_start3A_186 = tpu.memref_slice %arg7[%dma_start3A_184, %dma_start3A_185] : memref<10240x64xf32, #tpu.memory_space<vmem_shared>> -> memref<10240x64xf32, #tpu.memory_space<vmem_shared>>
        tpu.enqueue_indirect_dma source(%arg9 : memref<128x64xf32, #tpu.memory_space<vmem>>) target(%dma_start3A_186 : memref<10240x64xf32, #tpu.memory_space<vmem_shared>>) offsets(%dma_start3A_183 : memref<128xi32, #tpu.memory_space<vmem>>) semaphore(%run_scoped3A : memref<!tpu.dma_semaphore, #tpu.memory_space<semaphore_mem>>) {add = true}
        %dma_wait3A_187 = arith.constant 0 : i32
        %dma_wait3A_188 = tpu.memref_slice %arg11[%add3A_179, %dma_wait3A_187] : memref<42x128xi32, #tpu.memory_space<vmem>> -> memref<1x128xi32, #tpu.memory_space<vmem>>
        %dma_wait3A_189 = tpu.memref_squeeze %dma_wait3A_188 : memref<1x128xi32, #tpu.memory_space<vmem>> -> memref<128xi32, #tpu.memory_space<vmem>>
        %dma_wait3A_190 = arith.constant 0 : i32
        %dma_wait3A_191 = arith.constant 0 : i32
        %dma_wait3A_192 = tpu.memref_slice %arg7[%dma_wait3A_190, %dma_wait3A_191] : memref<10240x64xf32, #tpu.memory_space<vmem_shared>> -> memref<10240x64xf32, #tpu.memory_space<vmem_shared>>
        tpu.wait_indirect_dma semaphore(%run_scoped3A : memref<!tpu.dma_semaphore, #tpu.memory_space<semaphore_mem>>) src(%arg9 : memref<128x64xf32, #tpu.memory_space<vmem>>) dst(%dma_wait3A_192 : memref<10240x64xf32, #tpu.memory_space<vmem_shared>>)
        tpu.yield
      }) : () -> ()
      %scan3A_180 = arith.constant 0 : i32
      scf.yield %scan3A_180 : i32
    }
    %scan3A_47 = arith.constant 21 : i32
    %add3A = arith.constant 42 : i32
    %add3A_48 = arith.addi %mul3A_0, %add3A : i32
    %dma_start3A_49 = arith.constant 0 : i32
    %dma_start3A_50 = tpu.memref_slice %arg3[%add3A_48, %dma_start3A_49] : memref<2688x128xi32, #tpu.memory_space<hbm>> -> memref<42x128xi32, #tpu.memory_space<hbm>>
    %dma_start3A_51 = arith.constant 0 : i32
    %dma_start3A_52 = tpu.memref_slice %arg3[%add3A_48, %dma_start3A_51] : memref<2688x128xi32, #tpu.memory_space<hbm>> -> memref<42x128xi32, #tpu.memory_space<hbm>>
    tpu.enqueue_dma source(%dma_start3A_52 : memref<42x128xi32, #tpu.memory_space<hbm>>) target(%arg10 : memref<42x128xi32, #tpu.memory_space<vmem>>) target_semaphore(%arg14 : memref<!tpu.dma_semaphore, #tpu.memory_space<semaphore_mem>>)
    %dma_start3A_53 = arith.constant 0 : i32
    %dma_start3A_54 = tpu.memref_slice %arg4[%add3A_48, %dma_start3A_53] : memref<2688x128xi32, #tpu.memory_space<hbm>> -> memref<42x128xi32, #tpu.memory_space<hbm>>
    %dma_start3A_55 = arith.constant 0 : i32
    %dma_start3A_56 = tpu.memref_slice %arg4[%add3A_48, %dma_start3A_55] : memref<2688x128xi32, #tpu.memory_space<hbm>> -> memref<42x128xi32, #tpu.memory_space<hbm>>
    tpu.enqueue_dma source(%dma_start3A_56 : memref<42x128xi32, #tpu.memory_space<hbm>>) target(%arg11 : memref<42x128xi32, #tpu.memory_space<vmem>>) target_semaphore(%arg14 : memref<!tpu.dma_semaphore, #tpu.memory_space<semaphore_mem>>)
    %dma_wait3A_57 = arith.constant 0 : i32
    %dma_wait3A_58 = tpu.memref_slice %arg3[%add3A_48, %dma_wait3A_57] : memref<2688x128xi32, #tpu.memory_space<hbm>> -> memref<42x128xi32, #tpu.memory_space<hbm>>
    %dma_wait3A_59 = arith.constant 0 : i32
    %dma_wait3A_60 = tpu.memref_slice %arg3[%add3A_48, %dma_wait3A_59] : memref<2688x128xi32, #tpu.memory_space<hbm>> -> memref<42x128xi32, #tpu.memory_space<hbm>>
    tpu.wait_dma2 semaphore(%arg14 : memref<!tpu.dma_semaphore, #tpu.memory_space<semaphore_mem>>) src(%dma_wait3A_60 : memref<42x128xi32, #tpu.memory_space<hbm>>) dst(%arg10 : memref<42x128xi32, #tpu.memory_space<vmem>>)
    %dma_wait3A_61 = arith.constant 0 : i32
    %dma_wait3A_62 = tpu.memref_slice %arg4[%add3A_48, %dma_wait3A_61] : memref<2688x128xi32, #tpu.memory_space<hbm>> -> memref<42x128xi32, #tpu.memory_space<hbm>>
    %dma_wait3A_63 = arith.constant 0 : i32
    %dma_wait3A_64 = tpu.memref_slice %arg4[%add3A_48, %dma_wait3A_63] : memref<2688x128xi32, #tpu.memory_space<hbm>> -> memref<42x128xi32, #tpu.memory_space<hbm>>
    tpu.wait_dma2 semaphore(%arg14 : memref<!tpu.dma_semaphore, #tpu.memory_space<semaphore_mem>>) src(%dma_wait3A_64 : memref<42x128xi32, #tpu.memory_space<hbm>>) dst(%arg11 : memref<42x128xi32, #tpu.memory_space<vmem>>)
    %dma_start3A_65 = arith.constant 0 : i32
    %dma_start3A_66 = arith.constant 0 : i32
    %dma_start3A_67 = tpu.memref_slice %arg10[%dma_start3A_65, %dma_start3A_66] : memref<42x128xi32, #tpu.memory_space<vmem>> -> memref<1x128xi32, #tpu.memory_space<vmem>>
    %dma_start3A_68 = tpu.memref_squeeze %dma_start3A_67 : memref<1x128xi32, #tpu.memory_space<vmem>> -> memref<128xi32, #tpu.memory_space<vmem>>
    %dma_start3A_69 = arith.constant 0 : i32
    %dma_start3A_70 = arith.constant 0 : i32
    %dma_start3A_71 = tpu.memref_slice %arg6[%dma_start3A_69, %dma_start3A_70] : memref<10240x64xf32, #tpu.memory_space<vmem_shared>> -> memref<10240x64xf32, #tpu.memory_space<vmem_shared>>
    tpu.enqueue_indirect_dma source(%dma_start3A_71 : memref<10240x64xf32, #tpu.memory_space<vmem_shared>>) target(%arg8 : memref<128x64xf32, #tpu.memory_space<vmem>>) offsets(%dma_start3A_68 : memref<128xi32, #tpu.memory_space<vmem>>) semaphore(%arg12 : memref<!tpu.dma_semaphore, #tpu.memory_space<semaphore_mem>>)
    %scan3A_72 = arith.constant 0 : i32
    %scan3A_73 = arith.constant 0 : i32
    %scan3A_74 = arith.constant 21 : i32
    %scan3A_75 = arith.addi %scan3A_73, %scan3A_74 : i32
    %scan3A_76 = arith.constant 1 : i32
    %scan3A_77 = scf.for %scan3A_150 = %scan3A_73 to %scan3A_75 step %scan3A_76 iter_args(%scan3A_151 = %scan3A_72) -> (i32)  : i32 {
      %mul3A_152 = arith.constant 2 : i32
      %mul3A_153 = arith.muli %scan3A_150, %mul3A_152 : i32
      %dma_wait3A_154 = arith.constant 0 : i32
      %dma_wait3A_155 = tpu.memref_slice %arg10[%mul3A_153, %dma_wait3A_154] : memref<42x128xi32, #tpu.memory_space<vmem>> -> memref<1x128xi32, #tpu.memory_space<vmem>>
      %dma_wait3A_156 = tpu.memref_squeeze %dma_wait3A_155 : memref<1x128xi32, #tpu.memory_space<vmem>> -> memref<128xi32, #tpu.memory_space<vmem>>
      %dma_wait3A_157 = arith.constant 0 : i32
      %dma_wait3A_158 = arith.constant 0 : i32
      %dma_wait3A_159 = tpu.memref_slice %arg6[%dma_wait3A_157, %dma_wait3A_158] : memref<10240x64xf32, #tpu.memory_space<vmem_shared>> -> memref<10240x64xf32, #tpu.memory_space<vmem_shared>>
      tpu.wait_indirect_dma semaphore(%arg12 : memref<!tpu.dma_semaphore, #tpu.memory_space<semaphore_mem>>) src(%dma_wait3A_159 : memref<10240x64xf32, #tpu.memory_space<vmem_shared>>) dst(%arg8 : memref<128x64xf32, #tpu.memory_space<vmem>>)
      %add3A_160 = arith.constant 1 : i32
      %add3A_161 = arith.addi %mul3A_153, %add3A_160 : i32
      %dma_start3A_162 = arith.constant 0 : i32
      %dma_start3A_163 = tpu.memref_slice %arg10[%add3A_161, %dma_start3A_162] : memref<42x128xi32, #tpu.memory_space<vmem>> -> memref<1x128xi32, #tpu.memory_space<vmem>>
      %dma_start3A_164 = tpu.memref_squeeze %dma_start3A_163 : memref<1x128xi32, #tpu.memory_space<vmem>> -> memref<128xi32, #tpu.memory_space<vmem>>
      %dma_start3A_165 = arith.constant 0 : i32
      %dma_start3A_166 = arith.constant 0 : i32
      %dma_start3A_167 = tpu.memref_slice %arg6[%dma_start3A_165, %dma_start3A_166] : memref<10240x64xf32, #tpu.memory_space<vmem_shared>> -> memref<10240x64xf32, #tpu.memory_space<vmem_shared>>
      tpu.enqueue_indirect_dma source(%dma_start3A_167 : memref<10240x64xf32, #tpu.memory_space<vmem_shared>>) target(%arg9 : memref<128x64xf32, #tpu.memory_space<vmem>>) offsets(%dma_start3A_164 : memref<128xi32, #tpu.memory_space<vmem>>) semaphore(%arg13 : memref<!tpu.dma_semaphore, #tpu.memory_space<semaphore_mem>>)
      "tpu.region"() ({
        %run_scoped3A = tpu.sem_alloc : memref<!tpu.dma_semaphore, #tpu.memory_space<semaphore_mem>>
        %dma_start3A_181 = arith.constant 0 : i32
        %dma_start3A_182 = tpu.memref_slice %arg11[%mul3A_153, %dma_start3A_181] : memref<42x128xi32, #tpu.memory_space<vmem>> -> memref<1x128xi32, #tpu.memory_space<vmem>>
        %dma_start3A_183 = tpu.memref_squeeze %dma_start3A_182 : memref<1x128xi32, #tpu.memory_space<vmem>> -> memref<128xi32, #tpu.memory_space<vmem>>
        %dma_start3A_184 = arith.constant 0 : i32
        %dma_start3A_185 = arith.constant 0 : i32
        %dma_start3A_186 = tpu.memref_slice %arg7[%dma_start3A_184, %dma_start3A_185] : memref<10240x64xf32, #tpu.memory_space<vmem_shared>> -> memref<10240x64xf32, #tpu.memory_space<vmem_shared>>
        tpu.enqueue_indirect_dma source(%arg8 : memref<128x64xf32, #tpu.memory_space<vmem>>) target(%dma_start3A_186 : memref<10240x64xf32, #tpu.memory_space<vmem_shared>>) offsets(%dma_start3A_183 : memref<128xi32, #tpu.memory_space<vmem>>) semaphore(%run_scoped3A : memref<!tpu.dma_semaphore, #tpu.memory_space<semaphore_mem>>) {add = true}
        %dma_wait3A_187 = arith.constant 0 : i32
        %dma_wait3A_188 = tpu.memref_slice %arg11[%mul3A_153, %dma_wait3A_187] : memref<42x128xi32, #tpu.memory_space<vmem>> -> memref<1x128xi32, #tpu.memory_space<vmem>>
        %dma_wait3A_189 = tpu.memref_squeeze %dma_wait3A_188 : memref<1x128xi32, #tpu.memory_space<vmem>> -> memref<128xi32, #tpu.memory_space<vmem>>
        %dma_wait3A_190 = arith.constant 0 : i32
        %dma_wait3A_191 = arith.constant 0 : i32
        %dma_wait3A_192 = tpu.memref_slice %arg7[%dma_wait3A_190, %dma_wait3A_191] : memref<10240x64xf32, #tpu.memory_space<vmem_shared>> -> memref<10240x64xf32, #tpu.memory_space<vmem_shared>>
        tpu.wait_indirect_dma semaphore(%run_scoped3A : memref<!tpu.dma_semaphore, #tpu.memory_space<semaphore_mem>>) src(%arg8 : memref<128x64xf32, #tpu.memory_space<vmem>>) dst(%dma_wait3A_192 : memref<10240x64xf32, #tpu.memory_space<vmem_shared>>)
        tpu.yield
      }) : () -> ()
      %lt3A = arith.constant 20 : i32
      %lt3A_168 = arith.cmpi slt, %scan3A_150, %lt3A : i32
      %convert_element_type3A = arith.extui %lt3A_168 : i1 to i32
      %cond3A = arith.constant 0 : i32
      %cond3A_169 = arith.cmpi ne, %convert_element_type3A, %cond3A : i32
      scf.if %cond3A_169 {
        %add3A_181 = arith.constant 2 : i32
        %add3A_182 = arith.addi %mul3A_153, %add3A_181 : i32
        %dma_start3A_183 = arith.constant 0 : i32
        %dma_start3A_184 = tpu.memref_slice %arg10[%add3A_182, %dma_start3A_183] : memref<42x128xi32, #tpu.memory_space<vmem>> -> memref<1x128xi32, #tpu.memory_space<vmem>>
        %dma_start3A_185 = tpu.memref_squeeze %dma_start3A_184 : memref<1x128xi32, #tpu.memory_space<vmem>> -> memref<128xi32, #tpu.memory_space<vmem>>
        %dma_start3A_186 = arith.constant 0 : i32
        %dma_start3A_187 = arith.constant 0 : i32
        %dma_start3A_188 = tpu.memref_slice %arg6[%dma_start3A_186, %dma_start3A_187] : memref<10240x64xf32, #tpu.memory_space<vmem_shared>> -> memref<10240x64xf32, #tpu.memory_space<vmem_shared>>
        tpu.enqueue_indirect_dma source(%dma_start3A_188 : memref<10240x64xf32, #tpu.memory_space<vmem_shared>>) target(%arg8 : memref<128x64xf32, #tpu.memory_space<vmem>>) offsets(%dma_start3A_185 : memref<128xi32, #tpu.memory_space<vmem>>) semaphore(%arg12 : memref<!tpu.dma_semaphore, #tpu.memory_space<semaphore_mem>>)
      } else {
      }
      %add3A_170 = arith.constant 1 : i32
      %add3A_171 = arith.addi %mul3A_153, %add3A_170 : i32
      %dma_wait3A_172 = arith.constant 0 : i32
      %dma_wait3A_173 = tpu.memref_slice %arg10[%add3A_171, %dma_wait3A_172] : memref<42x128xi32, #tpu.memory_space<vmem>> -> memref<1x128xi32, #tpu.memory_space<vmem>>
      %dma_wait3A_174 = tpu.memref_squeeze %dma_wait3A_173 : memref<1x128xi32, #tpu.memory_space<vmem>> -> memref<128xi32, #tpu.memory_space<vmem>>
      %dma_wait3A_175 = arith.constant 0 : i32
      %dma_wait3A_176 = arith.constant 0 : i32
      %dma_wait3A_177 = tpu.memref_slice %arg6[%dma_wait3A_175, %dma_wait3A_176] : memref<10240x64xf32, #tpu.memory_space<vmem_shared>> -> memref<10240x64xf32, #tpu.memory_space<vmem_shared>>
      tpu.wait_indirect_dma semaphore(%arg13 : memref<!tpu.dma_semaphore, #tpu.memory_space<semaphore_mem>>) src(%dma_wait3A_177 : memref<10240x64xf32, #tpu.memory_space<vmem_shared>>) dst(%arg9 : memref<128x64xf32, #tpu.memory_space<vmem>>)
      %add3A_178 = arith.constant 1 : i32
      %add3A_179 = arith.addi %mul3A_153, %add3A_178 : i32
      "tpu.region"() ({
        %run_scoped3A = tpu.sem_alloc : memref<!tpu.dma_semaphore, #tpu.memory_space<semaphore_mem>>
        %dma_start3A_181 = arith.constant 0 : i32
        %dma_start3A_182 = tpu.memref_slice %arg11[%add3A_179, %dma_start3A_181] : memref<42x128xi32, #tpu.memory_space<vmem>> -> memref<1x128xi32, #tpu.memory_space<vmem>>
        %dma_start3A_183 = tpu.memref_squeeze %dma_start3A_182 : memref<1x128xi32, #tpu.memory_space<vmem>> -> memref<128xi32, #tpu.memory_space<vmem>>
        %dma_start3A_184 = arith.constant 0 : i32
        %dma_start3A_185 = arith.constant 0 : i32
        %dma_start3A_186 = tpu.memref_slice %arg7[%dma_start3A_184, %dma_start3A_185] : memref<10240x64xf32, #tpu.memory_space<vmem_shared>> -> memref<10240x64xf32, #tpu.memory_space<vmem_shared>>
        tpu.enqueue_indirect_dma source(%arg9 : memref<128x64xf32, #tpu.memory_space<vmem>>) target(%dma_start3A_186 : memref<10240x64xf32, #tpu.memory_space<vmem_shared>>) offsets(%dma_start3A_183 : memref<128xi32, #tpu.memory_space<vmem>>) semaphore(%run_scoped3A : memref<!tpu.dma_semaphore, #tpu.memory_space<semaphore_mem>>) {add = true}
        %dma_wait3A_187 = arith.constant 0 : i32
        %dma_wait3A_188 = tpu.memref_slice %arg11[%add3A_179, %dma_wait3A_187] : memref<42x128xi32, #tpu.memory_space<vmem>> -> memref<1x128xi32, #tpu.memory_space<vmem>>
        %dma_wait3A_189 = tpu.memref_squeeze %dma_wait3A_188 : memref<1x128xi32, #tpu.memory_space<vmem>> -> memref<128xi32, #tpu.memory_space<vmem>>
        %dma_wait3A_190 = arith.constant 0 : i32
        %dma_wait3A_191 = arith.constant 0 : i32
        %dma_wait3A_192 = tpu.memref_slice %arg7[%dma_wait3A_190, %dma_wait3A_191] : memref<10240x64xf32, #tpu.memory_space<vmem_shared>> -> memref<10240x64xf32, #tpu.memory_space<vmem_shared>>
        tpu.wait_indirect_dma semaphore(%run_scoped3A : memref<!tpu.dma_semaphore, #tpu.memory_space<semaphore_mem>>) src(%arg9 : memref<128x64xf32, #tpu.memory_space<vmem>>) dst(%dma_wait3A_192 : memref<10240x64xf32, #tpu.memory_space<vmem_shared>>)
        tpu.yield
      }) : () -> ()
      %scan3A_180 = arith.constant 0 : i32
      scf.yield %scan3A_180 : i32
    }
    %scan3A_78 = arith.constant 21 : i32
    %add3A_79 = arith.constant 84 : i32
    %add3A_80 = arith.addi %mul3A_0, %add3A_79 : i32
    %dma_start3A_81 = arith.constant 0 : i32
    %dma_start3A_82 = tpu.memref_slice %arg3[%add3A_80, %dma_start3A_81] : memref<2688x128xi32, #tpu.memory_space<hbm>> -> memref<42x128xi32, #tpu.memory_space<hbm>>
    %dma_start3A_83 = arith.constant 0 : i32
    %dma_start3A_84 = tpu.memref_slice %arg3[%add3A_80, %dma_start3A_83] : memref<2688x128xi32, #tpu.memory_space<hbm>> -> memref<42x128xi32, #tpu.memory_space<hbm>>
    tpu.enqueue_dma source(%dma_start3A_84 : memref<42x128xi32, #tpu.memory_space<hbm>>) target(%arg10 : memref<42x128xi32, #tpu.memory_space<vmem>>) target_semaphore(%arg14 : memref<!tpu.dma_semaphore, #tpu.memory_space<semaphore_mem>>)
    %dma_start3A_85 = arith.constant 0 : i32
    %dma_start3A_86 = tpu.memref_slice %arg4[%add3A_80, %dma_start3A_85] : memref<2688x128xi32, #tpu.memory_space<hbm>> -> memref<42x128xi32, #tpu.memory_space<hbm>>
    %dma_start3A_87 = arith.constant 0 : i32
    %dma_start3A_88 = tpu.memref_slice %arg4[%add3A_80, %dma_start3A_87] : memref<2688x128xi32, #tpu.memory_space<hbm>> -> memref<42x128xi32, #tpu.memory_space<hbm>>
    tpu.enqueue_dma source(%dma_start3A_88 : memref<42x128xi32, #tpu.memory_space<hbm>>) target(%arg11 : memref<42x128xi32, #tpu.memory_space<vmem>>) target_semaphore(%arg14 : memref<!tpu.dma_semaphore, #tpu.memory_space<semaphore_mem>>)
    %dma_wait3A_89 = arith.constant 0 : i32
    %dma_wait3A_90 = tpu.memref_slice %arg3[%add3A_80, %dma_wait3A_89] : memref<2688x128xi32, #tpu.memory_space<hbm>> -> memref<42x128xi32, #tpu.memory_space<hbm>>
    %dma_wait3A_91 = arith.constant 0 : i32
    %dma_wait3A_92 = tpu.memref_slice %arg3[%add3A_80, %dma_wait3A_91] : memref<2688x128xi32, #tpu.memory_space<hbm>> -> memref<42x128xi32, #tpu.memory_space<hbm>>
    tpu.wait_dma2 semaphore(%arg14 : memref<!tpu.dma_semaphore, #tpu.memory_space<semaphore_mem>>) src(%dma_wait3A_92 : memref<42x128xi32, #tpu.memory_space<hbm>>) dst(%arg10 : memref<42x128xi32, #tpu.memory_space<vmem>>)
    %dma_wait3A_93 = arith.constant 0 : i32
    %dma_wait3A_94 = tpu.memref_slice %arg4[%add3A_80, %dma_wait3A_93] : memref<2688x128xi32, #tpu.memory_space<hbm>> -> memref<42x128xi32, #tpu.memory_space<hbm>>
    %dma_wait3A_95 = arith.constant 0 : i32
    %dma_wait3A_96 = tpu.memref_slice %arg4[%add3A_80, %dma_wait3A_95] : memref<2688x128xi32, #tpu.memory_space<hbm>> -> memref<42x128xi32, #tpu.memory_space<hbm>>
    tpu.wait_dma2 semaphore(%arg14 : memref<!tpu.dma_semaphore, #tpu.memory_space<semaphore_mem>>) src(%dma_wait3A_96 : memref<42x128xi32, #tpu.memory_space<hbm>>) dst(%arg11 : memref<42x128xi32, #tpu.memory_space<vmem>>)
    %dma_start3A_97 = arith.constant 0 : i32
    %dma_start3A_98 = arith.constant 0 : i32
    %dma_start3A_99 = tpu.memref_slice %arg10[%dma_start3A_97, %dma_start3A_98] : memref<42x128xi32, #tpu.memory_space<vmem>> -> memref<1x128xi32, #tpu.memory_space<vmem>>
    %dma_start3A_100 = tpu.memref_squeeze %dma_start3A_99 : memref<1x128xi32, #tpu.memory_space<vmem>> -> memref<128xi32, #tpu.memory_space<vmem>>
    %dma_start3A_101 = arith.constant 0 : i32
    %dma_start3A_102 = arith.constant 0 : i32
    %dma_start3A_103 = tpu.memref_slice %arg6[%dma_start3A_101, %dma_start3A_102] : memref<10240x64xf32, #tpu.memory_space<vmem_shared>> -> memref<10240x64xf32, #tpu.memory_space<vmem_shared>>
    tpu.enqueue_indirect_dma source(%dma_start3A_103 : memref<10240x64xf32, #tpu.memory_space<vmem_shared>>) target(%arg8 : memref<128x64xf32, #tpu.memory_space<vmem>>) offsets(%dma_start3A_100 : memref<128xi32, #tpu.memory_space<vmem>>) semaphore(%arg12 : memref<!tpu.dma_semaphore, #tpu.memory_space<semaphore_mem>>)
    %scan3A_104 = arith.constant 0 : i32
    %scan3A_105 = arith.constant 0 : i32
    %scan3A_106 = arith.constant 21 : i32
    %scan3A_107 = arith.addi %scan3A_105, %scan3A_106 : i32
    %scan3A_108 = arith.constant 1 : i32
    %scan3A_109 = scf.for %scan3A_150 = %scan3A_105 to %scan3A_107 step %scan3A_108 iter_args(%scan3A_151 = %scan3A_104) -> (i32)  : i32 {
      %mul3A_152 = arith.constant 2 : i32
      %mul3A_153 = arith.muli %scan3A_150, %mul3A_152 : i32
      %dma_wait3A_154 = arith.constant 0 : i32
      %dma_wait3A_155 = tpu.memref_slice %arg10[%mul3A_153, %dma_wait3A_154] : memref<42x128xi32, #tpu.memory_space<vmem>> -> memref<1x128xi32, #tpu.memory_space<vmem>>
      %dma_wait3A_156 = tpu.memref_squeeze %dma_wait3A_155 : memref<1x128xi32, #tpu.memory_space<vmem>> -> memref<128xi32, #tpu.memory_space<vmem>>
      %dma_wait3A_157 = arith.constant 0 : i32
      %dma_wait3A_158 = arith.constant 0 : i32
      %dma_wait3A_159 = tpu.memref_slice %arg6[%dma_wait3A_157, %dma_wait3A_158] : memref<10240x64xf32, #tpu.memory_space<vmem_shared>> -> memref<10240x64xf32, #tpu.memory_space<vmem_shared>>
      tpu.wait_indirect_dma semaphore(%arg12 : memref<!tpu.dma_semaphore, #tpu.memory_space<semaphore_mem>>) src(%dma_wait3A_159 : memref<10240x64xf32, #tpu.memory_space<vmem_shared>>) dst(%arg8 : memref<128x64xf32, #tpu.memory_space<vmem>>)
      %add3A_160 = arith.constant 1 : i32
      %add3A_161 = arith.addi %mul3A_153, %add3A_160 : i32
      %dma_start3A_162 = arith.constant 0 : i32
      %dma_start3A_163 = tpu.memref_slice %arg10[%add3A_161, %dma_start3A_162] : memref<42x128xi32, #tpu.memory_space<vmem>> -> memref<1x128xi32, #tpu.memory_space<vmem>>
      %dma_start3A_164 = tpu.memref_squeeze %dma_start3A_163 : memref<1x128xi32, #tpu.memory_space<vmem>> -> memref<128xi32, #tpu.memory_space<vmem>>
      %dma_start3A_165 = arith.constant 0 : i32
      %dma_start3A_166 = arith.constant 0 : i32
      %dma_start3A_167 = tpu.memref_slice %arg6[%dma_start3A_165, %dma_start3A_166] : memref<10240x64xf32, #tpu.memory_space<vmem_shared>> -> memref<10240x64xf32, #tpu.memory_space<vmem_shared>>
      tpu.enqueue_indirect_dma source(%dma_start3A_167 : memref<10240x64xf32, #tpu.memory_space<vmem_shared>>) target(%arg9 : memref<128x64xf32, #tpu.memory_space<vmem>>) offsets(%dma_start3A_164 : memref<128xi32, #tpu.memory_space<vmem>>) semaphore(%arg13 : memref<!tpu.dma_semaphore, #tpu.memory_space<semaphore_mem>>)
      "tpu.region"() ({
        %run_scoped3A = tpu.sem_alloc : memref<!tpu.dma_semaphore, #tpu.memory_space<semaphore_mem>>
        %dma_start3A_181 = arith.constant 0 : i32
        %dma_start3A_182 = tpu.memref_slice %arg11[%mul3A_153, %dma_start3A_181] : memref<42x128xi32, #tpu.memory_space<vmem>> -> memref<1x128xi32, #tpu.memory_space<vmem>>
        %dma_start3A_183 = tpu.memref_squeeze %dma_start3A_182 : memref<1x128xi32, #tpu.memory_space<vmem>> -> memref<128xi32, #tpu.memory_space<vmem>>
        %dma_start3A_184 = arith.constant 0 : i32
        %dma_start3A_185 = arith.constant 0 : i32
        %dma_start3A_186 = tpu.memref_slice %arg7[%dma_start3A_184, %dma_start3A_185] : memref<10240x64xf32, #tpu.memory_space<vmem_shared>> -> memref<10240x64xf32, #tpu.memory_space<vmem_shared>>
        tpu.enqueue_indirect_dma source(%arg8 : memref<128x64xf32, #tpu.memory_space<vmem>>) target(%dma_start3A_186 : memref<10240x64xf32, #tpu.memory_space<vmem_shared>>) offsets(%dma_start3A_183 : memref<128xi32, #tpu.memory_space<vmem>>) semaphore(%run_scoped3A : memref<!tpu.dma_semaphore, #tpu.memory_space<semaphore_mem>>) {add = true}
        %dma_wait3A_187 = arith.constant 0 : i32
        %dma_wait3A_188 = tpu.memref_slice %arg11[%mul3A_153, %dma_wait3A_187] : memref<42x128xi32, #tpu.memory_space<vmem>> -> memref<1x128xi32, #tpu.memory_space<vmem>>
        %dma_wait3A_189 = tpu.memref_squeeze %dma_wait3A_188 : memref<1x128xi32, #tpu.memory_space<vmem>> -> memref<128xi32, #tpu.memory_space<vmem>>
        %dma_wait3A_190 = arith.constant 0 : i32
        %dma_wait3A_191 = arith.constant 0 : i32
        %dma_wait3A_192 = tpu.memref_slice %arg7[%dma_wait3A_190, %dma_wait3A_191] : memref<10240x64xf32, #tpu.memory_space<vmem_shared>> -> memref<10240x64xf32, #tpu.memory_space<vmem_shared>>
        tpu.wait_indirect_dma semaphore(%run_scoped3A : memref<!tpu.dma_semaphore, #tpu.memory_space<semaphore_mem>>) src(%arg8 : memref<128x64xf32, #tpu.memory_space<vmem>>) dst(%dma_wait3A_192 : memref<10240x64xf32, #tpu.memory_space<vmem_shared>>)
        tpu.yield
      }) : () -> ()
      %lt3A = arith.constant 20 : i32
      %lt3A_168 = arith.cmpi slt, %scan3A_150, %lt3A : i32
      %convert_element_type3A = arith.extui %lt3A_168 : i1 to i32
      %cond3A = arith.constant 0 : i32
      %cond3A_169 = arith.cmpi ne, %convert_element_type3A, %cond3A : i32
      scf.if %cond3A_169 {
        %add3A_181 = arith.constant 2 : i32
        %add3A_182 = arith.addi %mul3A_153, %add3A_181 : i32
        %dma_start3A_183 = arith.constant 0 : i32
        %dma_start3A_184 = tpu.memref_slice %arg10[%add3A_182, %dma_start3A_183] : memref<42x128xi32, #tpu.memory_space<vmem>> -> memref<1x128xi32, #tpu.memory_space<vmem>>
        %dma_start3A_185 = tpu.memref_squeeze %dma_start3A_184 : memref<1x128xi32, #tpu.memory_space<vmem>> -> memref<128xi32, #tpu.memory_space<vmem>>
        %dma_start3A_186 = arith.constant 0 : i32
        %dma_start3A_187 = arith.constant 0 : i32
        %dma_start3A_188 = tpu.memref_slice %arg6[%dma_start3A_186, %dma_start3A_187] : memref<10240x64xf32, #tpu.memory_space<vmem_shared>> -> memref<10240x64xf32, #tpu.memory_space<vmem_shared>>
        tpu.enqueue_indirect_dma source(%dma_start3A_188 : memref<10240x64xf32, #tpu.memory_space<vmem_shared>>) target(%arg8 : memref<128x64xf32, #tpu.memory_space<vmem>>) offsets(%dma_start3A_185 : memref<128xi32, #tpu.memory_space<vmem>>) semaphore(%arg12 : memref<!tpu.dma_semaphore, #tpu.memory_space<semaphore_mem>>)
      } else {
      }
      %add3A_170 = arith.constant 1 : i32
      %add3A_171 = arith.addi %mul3A_153, %add3A_170 : i32
      %dma_wait3A_172 = arith.constant 0 : i32
      %dma_wait3A_173 = tpu.memref_slice %arg10[%add3A_171, %dma_wait3A_172] : memref<42x128xi32, #tpu.memory_space<vmem>> -> memref<1x128xi32, #tpu.memory_space<vmem>>
      %dma_wait3A_174 = tpu.memref_squeeze %dma_wait3A_173 : memref<1x128xi32, #tpu.memory_space<vmem>> -> memref<128xi32, #tpu.memory_space<vmem>>
      %dma_wait3A_175 = arith.constant 0 : i32
      %dma_wait3A_176 = arith.constant 0 : i32
      %dma_wait3A_177 = tpu.memref_slice %arg6[%dma_wait3A_175, %dma_wait3A_176] : memref<10240x64xf32, #tpu.memory_space<vmem_shared>> -> memref<10240x64xf32, #tpu.memory_space<vmem_shared>>
      tpu.wait_indirect_dma semaphore(%arg13 : memref<!tpu.dma_semaphore, #tpu.memory_space<semaphore_mem>>) src(%dma_wait3A_177 : memref<10240x64xf32, #tpu.memory_space<vmem_shared>>) dst(%arg9 : memref<128x64xf32, #tpu.memory_space<vmem>>)
      %add3A_178 = arith.constant 1 : i32
      %add3A_179 = arith.addi %mul3A_153, %add3A_178 : i32
      "tpu.region"() ({
        %run_scoped3A = tpu.sem_alloc : memref<!tpu.dma_semaphore, #tpu.memory_space<semaphore_mem>>
        %dma_start3A_181 = arith.constant 0 : i32
        %dma_start3A_182 = tpu.memref_slice %arg11[%add3A_179, %dma_start3A_181] : memref<42x128xi32, #tpu.memory_space<vmem>> -> memref<1x128xi32, #tpu.memory_space<vmem>>
        %dma_start3A_183 = tpu.memref_squeeze %dma_start3A_182 : memref<1x128xi32, #tpu.memory_space<vmem>> -> memref<128xi32, #tpu.memory_space<vmem>>
        %dma_start3A_184 = arith.constant 0 : i32
        %dma_start3A_185 = arith.constant 0 : i32
        %dma_start3A_186 = tpu.memref_slice %arg7[%dma_start3A_184, %dma_start3A_185] : memref<10240x64xf32, #tpu.memory_space<vmem_shared>> -> memref<10240x64xf32, #tpu.memory_space<vmem_shared>>
        tpu.enqueue_indirect_dma source(%arg9 : memref<128x64xf32, #tpu.memory_space<vmem>>) target(%dma_start3A_186 : memref<10240x64xf32, #tpu.memory_space<vmem_shared>>) offsets(%dma_start3A_183 : memref<128xi32, #tpu.memory_space<vmem>>) semaphore(%run_scoped3A : memref<!tpu.dma_semaphore, #tpu.memory_space<semaphore_mem>>) {add = true}
        %dma_wait3A_187 = arith.constant 0 : i32
        %dma_wait3A_188 = tpu.memref_slice %arg11[%add3A_179, %dma_wait3A_187] : memref<42x128xi32, #tpu.memory_space<vmem>> -> memref<1x128xi32, #tpu.memory_space<vmem>>
        %dma_wait3A_189 = tpu.memref_squeeze %dma_wait3A_188 : memref<1x128xi32, #tpu.memory_space<vmem>> -> memref<128xi32, #tpu.memory_space<vmem>>
        %dma_wait3A_190 = arith.constant 0 : i32
        %dma_wait3A_191 = arith.constant 0 : i32
        %dma_wait3A_192 = tpu.memref_slice %arg7[%dma_wait3A_190, %dma_wait3A_191] : memref<10240x64xf32, #tpu.memory_space<vmem_shared>> -> memref<10240x64xf32, #tpu.memory_space<vmem_shared>>
        tpu.wait_indirect_dma semaphore(%run_scoped3A : memref<!tpu.dma_semaphore, #tpu.memory_space<semaphore_mem>>) src(%arg9 : memref<128x64xf32, #tpu.memory_space<vmem>>) dst(%dma_wait3A_192 : memref<10240x64xf32, #tpu.memory_space<vmem_shared>>)
        tpu.yield
      }) : () -> ()
      %scan3A_180 = arith.constant 0 : i32
      scf.yield %scan3A_180 : i32
    }
    %scan3A_110 = arith.constant 21 : i32
    %add3A_111 = arith.constant 126 : i32
    %add3A_112 = arith.addi %mul3A_0, %add3A_111 : i32
    %dma_start3A_113 = arith.constant 0 : i32
    %dma_start3A_114 = tpu.memref_slice %arg3[%add3A_112, %dma_start3A_113] : memref<2688x128xi32, #tpu.memory_space<hbm>> -> memref<42x128xi32, #tpu.memory_space<hbm>>
    %dma_start3A_115 = arith.constant 0 : i32
    %dma_start3A_116 = tpu.memref_slice %arg3[%add3A_112, %dma_start3A_115] : memref<2688x128xi32, #tpu.memory_space<hbm>> -> memref<42x128xi32, #tpu.memory_space<hbm>>
    tpu.enqueue_dma source(%dma_start3A_116 : memref<42x128xi32, #tpu.memory_space<hbm>>) target(%arg10 : memref<42x128xi32, #tpu.memory_space<vmem>>) target_semaphore(%arg14 : memref<!tpu.dma_semaphore, #tpu.memory_space<semaphore_mem>>)
    %dma_start3A_117 = arith.constant 0 : i32
    %dma_start3A_118 = tpu.memref_slice %arg4[%add3A_112, %dma_start3A_117] : memref<2688x128xi32, #tpu.memory_space<hbm>> -> memref<42x128xi32, #tpu.memory_space<hbm>>
    %dma_start3A_119 = arith.constant 0 : i32
    %dma_start3A_120 = tpu.memref_slice %arg4[%add3A_112, %dma_start3A_119] : memref<2688x128xi32, #tpu.memory_space<hbm>> -> memref<42x128xi32, #tpu.memory_space<hbm>>
    tpu.enqueue_dma source(%dma_start3A_120 : memref<42x128xi32, #tpu.memory_space<hbm>>) target(%arg11 : memref<42x128xi32, #tpu.memory_space<vmem>>) target_semaphore(%arg14 : memref<!tpu.dma_semaphore, #tpu.memory_space<semaphore_mem>>)
    %dma_wait3A_121 = arith.constant 0 : i32
    %dma_wait3A_122 = tpu.memref_slice %arg3[%add3A_112, %dma_wait3A_121] : memref<2688x128xi32, #tpu.memory_space<hbm>> -> memref<42x128xi32, #tpu.memory_space<hbm>>
    %dma_wait3A_123 = arith.constant 0 : i32
    %dma_wait3A_124 = tpu.memref_slice %arg3[%add3A_112, %dma_wait3A_123] : memref<2688x128xi32, #tpu.memory_space<hbm>> -> memref<42x128xi32, #tpu.memory_space<hbm>>
    tpu.wait_dma2 semaphore(%arg14 : memref<!tpu.dma_semaphore, #tpu.memory_space<semaphore_mem>>) src(%dma_wait3A_124 : memref<42x128xi32, #tpu.memory_space<hbm>>) dst(%arg10 : memref<42x128xi32, #tpu.memory_space<vmem>>)
    %dma_wait3A_125 = arith.constant 0 : i32
    %dma_wait3A_126 = tpu.memref_slice %arg4[%add3A_112, %dma_wait3A_125] : memref<2688x128xi32, #tpu.memory_space<hbm>> -> memref<42x128xi32, #tpu.memory_space<hbm>>
    %dma_wait3A_127 = arith.constant 0 : i32
    %dma_wait3A_128 = tpu.memref_slice %arg4[%add3A_112, %dma_wait3A_127] : memref<2688x128xi32, #tpu.memory_space<hbm>> -> memref<42x128xi32, #tpu.memory_space<hbm>>
    tpu.wait_dma2 semaphore(%arg14 : memref<!tpu.dma_semaphore, #tpu.memory_space<semaphore_mem>>) src(%dma_wait3A_128 : memref<42x128xi32, #tpu.memory_space<hbm>>) dst(%arg11 : memref<42x128xi32, #tpu.memory_space<vmem>>)
    %dma_start3A_129 = arith.constant 0 : i32
    %dma_start3A_130 = arith.constant 0 : i32
    %dma_start3A_131 = tpu.memref_slice %arg10[%dma_start3A_129, %dma_start3A_130] : memref<42x128xi32, #tpu.memory_space<vmem>> -> memref<1x128xi32, #tpu.memory_space<vmem>>
    %dma_start3A_132 = tpu.memref_squeeze %dma_start3A_131 : memref<1x128xi32, #tpu.memory_space<vmem>> -> memref<128xi32, #tpu.memory_space<vmem>>
    %dma_start3A_133 = arith.constant 0 : i32
    %dma_start3A_134 = arith.constant 0 : i32
    %dma_start3A_135 = tpu.memref_slice %arg6[%dma_start3A_133, %dma_start3A_134] : memref<10240x64xf32, #tpu.memory_space<vmem_shared>> -> memref<10240x64xf32, #tpu.memory_space<vmem_shared>>
    tpu.enqueue_indirect_dma source(%dma_start3A_135 : memref<10240x64xf32, #tpu.memory_space<vmem_shared>>) target(%arg8 : memref<128x64xf32, #tpu.memory_space<vmem>>) offsets(%dma_start3A_132 : memref<128xi32, #tpu.memory_space<vmem>>) semaphore(%arg12 : memref<!tpu.dma_semaphore, #tpu.memory_space<semaphore_mem>>)
    %scan3A_136 = arith.constant 0 : i32
    %scan3A_137 = arith.constant 0 : i32
    %scan3A_138 = arith.constant 21 : i32
    %scan3A_139 = arith.addi %scan3A_137, %scan3A_138 : i32
    %scan3A_140 = arith.constant 1 : i32
    %scan3A_141 = scf.for %scan3A_150 = %scan3A_137 to %scan3A_139 step %scan3A_140 iter_args(%scan3A_151 = %scan3A_136) -> (i32)  : i32 {
      %mul3A_152 = arith.constant 2 : i32
      %mul3A_153 = arith.muli %scan3A_150, %mul3A_152 : i32
      %dma_wait3A_154 = arith.constant 0 : i32
      %dma_wait3A_155 = tpu.memref_slice %arg10[%mul3A_153, %dma_wait3A_154] : memref<42x128xi32, #tpu.memory_space<vmem>> -> memref<1x128xi32, #tpu.memory_space<vmem>>
      %dma_wait3A_156 = tpu.memref_squeeze %dma_wait3A_155 : memref<1x128xi32, #tpu.memory_space<vmem>> -> memref<128xi32, #tpu.memory_space<vmem>>
      %dma_wait3A_157 = arith.constant 0 : i32
      %dma_wait3A_158 = arith.constant 0 : i32
      %dma_wait3A_159 = tpu.memref_slice %arg6[%dma_wait3A_157, %dma_wait3A_158] : memref<10240x64xf32, #tpu.memory_space<vmem_shared>> -> memref<10240x64xf32, #tpu.memory_space<vmem_shared>>
      tpu.wait_indirect_dma semaphore(%arg12 : memref<!tpu.dma_semaphore, #tpu.memory_space<semaphore_mem>>) src(%dma_wait3A_159 : memref<10240x64xf32, #tpu.memory_space<vmem_shared>>) dst(%arg8 : memref<128x64xf32, #tpu.memory_space<vmem>>)
      %add3A_160 = arith.constant 1 : i32
      %add3A_161 = arith.addi %mul3A_153, %add3A_160 : i32
      %dma_start3A_162 = arith.constant 0 : i32
      %dma_start3A_163 = tpu.memref_slice %arg10[%add3A_161, %dma_start3A_162] : memref<42x128xi32, #tpu.memory_space<vmem>> -> memref<1x128xi32, #tpu.memory_space<vmem>>
      %dma_start3A_164 = tpu.memref_squeeze %dma_start3A_163 : memref<1x128xi32, #tpu.memory_space<vmem>> -> memref<128xi32, #tpu.memory_space<vmem>>
      %dma_start3A_165 = arith.constant 0 : i32
      %dma_start3A_166 = arith.constant 0 : i32
      %dma_start3A_167 = tpu.memref_slice %arg6[%dma_start3A_165, %dma_start3A_166] : memref<10240x64xf32, #tpu.memory_space<vmem_shared>> -> memref<10240x64xf32, #tpu.memory_space<vmem_shared>>
      tpu.enqueue_indirect_dma source(%dma_start3A_167 : memref<10240x64xf32, #tpu.memory_space<vmem_shared>>) target(%arg9 : memref<128x64xf32, #tpu.memory_space<vmem>>) offsets(%dma_start3A_164 : memref<128xi32, #tpu.memory_space<vmem>>) semaphore(%arg13 : memref<!tpu.dma_semaphore, #tpu.memory_space<semaphore_mem>>)
      "tpu.region"() ({
        %run_scoped3A = tpu.sem_alloc : memref<!tpu.dma_semaphore, #tpu.memory_space<semaphore_mem>>
        %dma_start3A_181 = arith.constant 0 : i32
        %dma_start3A_182 = tpu.memref_slice %arg11[%mul3A_153, %dma_start3A_181] : memref<42x128xi32, #tpu.memory_space<vmem>> -> memref<1x128xi32, #tpu.memory_space<vmem>>
        %dma_start3A_183 = tpu.memref_squeeze %dma_start3A_182 : memref<1x128xi32, #tpu.memory_space<vmem>> -> memref<128xi32, #tpu.memory_space<vmem>>
        %dma_start3A_184 = arith.constant 0 : i32
        %dma_start3A_185 = arith.constant 0 : i32
        %dma_start3A_186 = tpu.memref_slice %arg7[%dma_start3A_184, %dma_start3A_185] : memref<10240x64xf32, #tpu.memory_space<vmem_shared>> -> memref<10240x64xf32, #tpu.memory_space<vmem_shared>>
        tpu.enqueue_indirect_dma source(%arg8 : memref<128x64xf32, #tpu.memory_space<vmem>>) target(%dma_start3A_186 : memref<10240x64xf32, #tpu.memory_space<vmem_shared>>) offsets(%dma_start3A_183 : memref<128xi32, #tpu.memory_space<vmem>>) semaphore(%run_scoped3A : memref<!tpu.dma_semaphore, #tpu.memory_space<semaphore_mem>>) {add = true}
        %dma_wait3A_187 = arith.constant 0 : i32
        %dma_wait3A_188 = tpu.memref_slice %arg11[%mul3A_153, %dma_wait3A_187] : memref<42x128xi32, #tpu.memory_space<vmem>> -> memref<1x128xi32, #tpu.memory_space<vmem>>
        %dma_wait3A_189 = tpu.memref_squeeze %dma_wait3A_188 : memref<1x128xi32, #tpu.memory_space<vmem>> -> memref<128xi32, #tpu.memory_space<vmem>>
        %dma_wait3A_190 = arith.constant 0 : i32
        %dma_wait3A_191 = arith.constant 0 : i32
        %dma_wait3A_192 = tpu.memref_slice %arg7[%dma_wait3A_190, %dma_wait3A_191] : memref<10240x64xf32, #tpu.memory_space<vmem_shared>> -> memref<10240x64xf32, #tpu.memory_space<vmem_shared>>
        tpu.wait_indirect_dma semaphore(%run_scoped3A : memref<!tpu.dma_semaphore, #tpu.memory_space<semaphore_mem>>) src(%arg8 : memref<128x64xf32, #tpu.memory_space<vmem>>) dst(%dma_wait3A_192 : memref<10240x64xf32, #tpu.memory_space<vmem_shared>>)
        tpu.yield
      }) : () -> ()
      %lt3A = arith.constant 20 : i32
      %lt3A_168 = arith.cmpi slt, %scan3A_150, %lt3A : i32
      %convert_element_type3A = arith.extui %lt3A_168 : i1 to i32
      %cond3A = arith.constant 0 : i32
      %cond3A_169 = arith.cmpi ne, %convert_element_type3A, %cond3A : i32
      scf.if %cond3A_169 {
        %add3A_181 = arith.constant 2 : i32
        %add3A_182 = arith.addi %mul3A_153, %add3A_181 : i32
        %dma_start3A_183 = arith.constant 0 : i32
        %dma_start3A_184 = tpu.memref_slice %arg10[%add3A_182, %dma_start3A_183] : memref<42x128xi32, #tpu.memory_space<vmem>> -> memref<1x128xi32, #tpu.memory_space<vmem>>
        %dma_start3A_185 = tpu.memref_squeeze %dma_start3A_184 : memref<1x128xi32, #tpu.memory_space<vmem>> -> memref<128xi32, #tpu.memory_space<vmem>>
        %dma_start3A_186 = arith.constant 0 : i32
        %dma_start3A_187 = arith.constant 0 : i32
        %dma_start3A_188 = tpu.memref_slice %arg6[%dma_start3A_186, %dma_start3A_187] : memref<10240x64xf32, #tpu.memory_space<vmem_shared>> -> memref<10240x64xf32, #tpu.memory_space<vmem_shared>>
        tpu.enqueue_indirect_dma source(%dma_start3A_188 : memref<10240x64xf32, #tpu.memory_space<vmem_shared>>) target(%arg8 : memref<128x64xf32, #tpu.memory_space<vmem>>) offsets(%dma_start3A_185 : memref<128xi32, #tpu.memory_space<vmem>>) semaphore(%arg12 : memref<!tpu.dma_semaphore, #tpu.memory_space<semaphore_mem>>)
      } else {
      }
      %add3A_170 = arith.constant 1 : i32
      %add3A_171 = arith.addi %mul3A_153, %add3A_170 : i32
      %dma_wait3A_172 = arith.constant 0 : i32
      %dma_wait3A_173 = tpu.memref_slice %arg10[%add3A_171, %dma_wait3A_172] : memref<42x128xi32, #tpu.memory_space<vmem>> -> memref<1x128xi32, #tpu.memory_space<vmem>>
      %dma_wait3A_174 = tpu.memref_squeeze %dma_wait3A_173 : memref<1x128xi32, #tpu.memory_space<vmem>> -> memref<128xi32, #tpu.memory_space<vmem>>
      %dma_wait3A_175 = arith.constant 0 : i32
      %dma_wait3A_176 = arith.constant 0 : i32
      %dma_wait3A_177 = tpu.memref_slice %arg6[%dma_wait3A_175, %dma_wait3A_176] : memref<10240x64xf32, #tpu.memory_space<vmem_shared>> -> memref<10240x64xf32, #tpu.memory_space<vmem_shared>>
      tpu.wait_indirect_dma semaphore(%arg13 : memref<!tpu.dma_semaphore, #tpu.memory_space<semaphore_mem>>) src(%dma_wait3A_177 : memref<10240x64xf32, #tpu.memory_space<vmem_shared>>) dst(%arg9 : memref<128x64xf32, #tpu.memory_space<vmem>>)
      %add3A_178 = arith.constant 1 : i32
      %add3A_179 = arith.addi %mul3A_153, %add3A_178 : i32
      "tpu.region"() ({
        %run_scoped3A = tpu.sem_alloc : memref<!tpu.dma_semaphore, #tpu.memory_space<semaphore_mem>>
        %dma_start3A_181 = arith.constant 0 : i32
        %dma_start3A_182 = tpu.memref_slice %arg11[%add3A_179, %dma_start3A_181] : memref<42x128xi32, #tpu.memory_space<vmem>> -> memref<1x128xi32, #tpu.memory_space<vmem>>
        %dma_start3A_183 = tpu.memref_squeeze %dma_start3A_182 : memref<1x128xi32, #tpu.memory_space<vmem>> -> memref<128xi32, #tpu.memory_space<vmem>>
        %dma_start3A_184 = arith.constant 0 : i32
        %dma_start3A_185 = arith.constant 0 : i32
        %dma_start3A_186 = tpu.memref_slice %arg7[%dma_start3A_184, %dma_start3A_185] : memref<10240x64xf32, #tpu.memory_space<vmem_shared>> -> memref<10240x64xf32, #tpu.memory_space<vmem_shared>>
        tpu.enqueue_indirect_dma source(%arg9 : memref<128x64xf32, #tpu.memory_space<vmem>>) target(%dma_start3A_186 : memref<10240x64xf32, #tpu.memory_space<vmem_shared>>) offsets(%dma_start3A_183 : memref<128xi32, #tpu.memory_space<vmem>>) semaphore(%run_scoped3A : memref<!tpu.dma_semaphore, #tpu.memory_space<semaphore_mem>>) {add = true}
        %dma_wait3A_187 = arith.constant 0 : i32
        %dma_wait3A_188 = tpu.memref_slice %arg11[%add3A_179, %dma_wait3A_187] : memref<42x128xi32, #tpu.memory_space<vmem>> -> memref<1x128xi32, #tpu.memory_space<vmem>>
        %dma_wait3A_189 = tpu.memref_squeeze %dma_wait3A_188 : memref<1x128xi32, #tpu.memory_space<vmem>> -> memref<128xi32, #tpu.memory_space<vmem>>
        %dma_wait3A_190 = arith.constant 0 : i32
        %dma_wait3A_191 = arith.constant 0 : i32
        %dma_wait3A_192 = tpu.memref_slice %arg7[%dma_wait3A_190, %dma_wait3A_191] : memref<10240x64xf32, #tpu.memory_space<vmem_shared>> -> memref<10240x64xf32, #tpu.memory_space<vmem_shared>>
        tpu.wait_indirect_dma semaphore(%run_scoped3A : memref<!tpu.dma_semaphore, #tpu.memory_space<semaphore_mem>>) src(%arg9 : memref<128x64xf32, #tpu.memory_space<vmem>>) dst(%dma_wait3A_192 : memref<10240x64xf32, #tpu.memory_space<vmem_shared>>)
        tpu.yield
      }) : () -> ()
      %scan3A_180 = arith.constant 0 : i32
      scf.yield %scan3A_180 : i32
    }
    %scan3A_142 = arith.constant 21 : i32
    %barrier3A_143 = arith.constant 0 : index
    tpu.barrier barrier_id(%barrier3A_143)
    %mul3A_144 = arith.constant 640 : i32
    %mul3A_145 = arith.muli %arg1, %mul3A_144 : i32
    %mul3A_146 = arith.constant 640 : i32
    %mul3A_147 = arith.muli %arg1, %mul3A_146 : i32
    %mul3A_148 = arith.constant 64 : i32
    %mul3A_149 = arith.muli %arg0, %mul3A_148 : i32
    "tpu.region"() ({
      %run_scoped3A = tpu.sem_alloc : memref<!tpu.dma_semaphore, #tpu.memory_space<semaphore_mem>>
      %dma_start3A_150 = tpu.memref_slice %arg5[%mul3A_147, %mul3A_149] : memref<10240x128xf32, #tpu.memory_space<hbm>> -> memref<640x64xf32, #tpu.memory_space<hbm>>
      %dma_start3A_151 = arith.constant 0 : i32
      %dma_start3A_152 = tpu.memref_slice %arg7[%mul3A_145, %dma_start3A_151] : memref<10240x64xf32, #tpu.memory_space<vmem_shared>> -> memref<640x64xf32, #tpu.memory_space<vmem_shared>>
      tpu.enqueue_dma source(%dma_start3A_152 : memref<640x64xf32, #tpu.memory_space<vmem_shared>>) target(%dma_start3A_150 : memref<640x64xf32, #tpu.memory_space<hbm>>) target_semaphore(%run_scoped3A : memref<!tpu.dma_semaphore, #tpu.memory_space<semaphore_mem>>)
      %dma_wait3A_153 = tpu.memref_slice %arg5[%mul3A_147, %mul3A_149] : memref<10240x128xf32, #tpu.memory_space<hbm>> -> memref<640x64xf32, #tpu.memory_space<hbm>>
      %dma_wait3A_154 = arith.constant 0 : i32
      %dma_wait3A_155 = tpu.memref_slice %arg7[%mul3A_145, %dma_wait3A_154] : memref<10240x64xf32, #tpu.memory_space<vmem_shared>> -> memref<640x64xf32, #tpu.memory_space<vmem_shared>>
      tpu.wait_dma2 semaphore(%run_scoped3A : memref<!tpu.dma_semaphore, #tpu.memory_space<semaphore_mem>>) src(%dma_wait3A_155 : memref<640x64xf32, #tpu.memory_space<vmem_shared>>) dst(%dma_wait3A_153 : memref<640x64xf32, #tpu.memory_space<hbm>>)
      tpu.yield
    }) : () -> ()
    return
  }
}

module attributes {stable_mosaic.version = 14 : i64} {
  func.func @_sigma_body(%arg0: memref<128x128xf32, #tpu.memory_space<vmem>>, %arg1: memref<1x1xf32, #tpu.memory_space<vmem>>) attributes {dimension_semantics = [], scalar_prefetch = 0 : i64, scratch_operands = 0 : i64, tpu.core_type = #tpu.core_type<tc>} {
    %get3A = arith.constant 0 : index
    %get3A_0 = arith.constant 0 : index
    %get3A_1 = vector.load %arg0[%get3A, %get3A_0] : memref<128x128xf32, #tpu.memory_space<vmem>>, vector<128x128xf32>
    %transpose3A = tpu.transpose %get3A_1, [1, 0] : vector<128x128xf32> -> vector<128x128xf32>
    %dot_general3A = arith.constant dense<0.000000e+00> : vector<128x128xf32>
    %dot_general3A_2 = tpu.matmul %get3A_1, %transpose3A, %dot_general3A {dimension_numbers = #tpu.dot_dimension_numbers<[1], [0], [0], [1], [0, 0, 1, 1], [], []>, transpose_lhs_hint = false} : vector<128x128xf32>, vector<128x128xf32>, vector<128x128xf32> -> vector<128x128xf32>
    %broadcast_in_dim3A = arith.constant 0.0883883461 : f32
    %broadcast_in_dim3A_3 = vector.broadcast %broadcast_in_dim3A : f32 to vector<1x128xf32>
    %scan3A = arith.constant 0 : i32
    %scan3A_4 = arith.constant 48 : i32
    %scan3A_5 = arith.addi %scan3A, %scan3A_4 : i32
    %scan3A_6 = arith.constant 1 : i32
    %scan3A_7 = scf.for %scan3A_18 = %scan3A to %scan3A_5 step %scan3A_6 iter_args(%scan3A_19 = %broadcast_in_dim3A_3) -> (vector<1x128xf32>)  : i32 {
      %dot_general3A_20 = arith.constant dense<0.000000e+00> : vector<1x128xf32>
      %dot_general3A_21 = tpu.matmul %scan3A_19, %dot_general3A_2, %dot_general3A_20 {dimension_numbers = #tpu.dot_dimension_numbers<[1], [0], [0], [1], [0, 0, 1, 1], [], []>, transpose_lhs_hint = false} : vector<1x128xf32>, vector<128x128xf32>, vector<1x128xf32> -> vector<1x128xf32>
      %mul3A_22 = arith.mulf %dot_general3A_21, %dot_general3A_21 : vector<1x128xf32>
      %reduce_sum3A_23 = vector.shape_cast %mul3A_22 : vector<1x128xf32> to vector<1x1x128xf32>
      %reduce_sum3A_24 = arith.constant dense<0.000000e+00> : vector<1xf32>
      %reduce_sum3A_25 = vector.multi_reduction <add>, %reduce_sum3A_23, %reduce_sum3A_24 [1, 2] : vector<1x1x128xf32> to vector<1xf32>
      %reduce_sum3A_26 = vector.shape_cast %reduce_sum3A_25 : vector<1xf32> to vector<1x1x1xf32>
      %reduce_sum3A_27 = vector.extract %reduce_sum3A_26[0, 0, 0] : f32 from vector<1x1x1xf32>
      %sqrt3A_28 = math.sqrt %reduce_sum3A_27 : f32
      %div3A = vector.broadcast %sqrt3A_28 : f32 to vector<1x128xf32>
      %div3A_29 = arith.divf %dot_general3A_21, %div3A : vector<1x128xf32>
      scf.yield %div3A_29 : vector<1x128xf32>
    }
    %dot_general3A_8 = arith.constant dense<0.000000e+00> : vector<1x128xf32>
    %dot_general3A_9 = tpu.matmul %scan3A_7, %dot_general3A_2, %dot_general3A_8 {dimension_numbers = #tpu.dot_dimension_numbers<[1], [0], [0], [1], [0, 0, 1, 1], [], []>, transpose_lhs_hint = false} : vector<1x128xf32>, vector<128x128xf32>, vector<1x128xf32> -> vector<1x128xf32>
    %mul3A = arith.mulf %dot_general3A_9, %dot_general3A_9 : vector<1x128xf32>
    %reduce_sum3A = vector.shape_cast %mul3A : vector<1x128xf32> to vector<1x1x128xf32>
    %reduce_sum3A_10 = arith.constant dense<0.000000e+00> : vector<1xf32>
    %reduce_sum3A_11 = vector.multi_reduction <add>, %reduce_sum3A, %reduce_sum3A_10 [1, 2] : vector<1x1x128xf32> to vector<1xf32>
    %reduce_sum3A_12 = vector.shape_cast %reduce_sum3A_11 : vector<1xf32> to vector<1x1x1xf32>
    %reduce_sum3A_13 = vector.extract %reduce_sum3A_12[0, 0, 0] : f32 from vector<1x1x1xf32>
    %sqrt3A = math.sqrt %reduce_sum3A_13 : f32
    %sqrt3A_14 = math.sqrt %sqrt3A : f32
    %broadcast_in_dim3A_15 = vector.broadcast %sqrt3A_14 : f32 to vector<1x1xf32>
    %swap3A = arith.constant 0 : index
    %swap3A_16 = arith.constant 0 : index
    %swap3A_17 = vector.load %arg1[%swap3A, %swap3A_16] : memref<1x1xf32, #tpu.memory_space<vmem>>, vector<1x1xf32>
    tpu.vector_store %arg1[%swap3A, %swap3A_16], %broadcast_in_dim3A_15 {strides = array<i32>} : memref<1x1xf32, #tpu.memory_space<vmem>>, vector<1x1xf32>,
    return
  }
}

module attributes {stable_mosaic.version = 14 : i64} {
  func.func @_xs_body(%arg0: i32, %arg1: memref<512x128xf32, #tpu.memory_space<vmem>>, %arg2: memref<128x128xf32, #tpu.memory_space<vmem>>, %arg3: memref<1x1xf32, #tpu.memory_space<vmem>>, %arg4: memref<2x512x16xf32, #tpu.memory_space<vmem>>, %arg5: memref<512x128xf32, #tpu.memory_space<vmem>>) attributes {dimension_semantics = [#tpu.dimension_semantics<arbitrary>], iteration_bounds = array<i64: 20>, scalar_prefetch = 0 : i64, scratch_operands = 0 : i64, tpu.core_type = #tpu.core_type<tc>, window_params = [{transform_indices = @transform_0, window_bounds = array<i64: 512, 128>}, {pipeline_mode = #tpu.pipeline_mode<synchronous>, transform_indices = @transform_1, window_bounds = array<i64: 128, 128>}, {pipeline_mode = #tpu.pipeline_mode<synchronous>, transform_indices = @transform_2, window_bounds = array<i64: 1, 1>}, {transform_indices = @transform_3, window_bounds = array<i64: 2, 512, 16>}, {transform_indices = @transform_4, window_bounds = array<i64: 512, 128>}]} {
    %get3A = arith.constant 0 : index
    %get3A_0 = arith.constant 0 : index
    %get3A_1 = vector.load %arg3[%get3A, %get3A_0] : memref<1x1xf32, #tpu.memory_space<vmem>>, vector<1x1xf32>
    %get3A_2 = vector.extract %get3A_1[0, 0] : f32 from vector<1x1xf32>
    %div3A = arith.constant 1.000000e+00 : f32
    %div3A_3 = arith.divf %div3A, %get3A_2 : f32
    %get3A_4 = arith.constant 0 : index
    %get3A_5 = arith.constant 0 : index
    %get3A_6 = arith.constant 0 : index
    %get3A_7 = vector.load %arg4[%get3A_4, %get3A_5, %get3A_6] : memref<2x512x16xf32, #tpu.memory_space<vmem>>, vector<1x512x1xf32>
    %get3A_8 = vector.shape_cast %get3A_7 : vector<1x512x1xf32> to vector<512x1xf32>
    %get3A_9 = arith.constant 1 : index
    %get3A_10 = arith.constant 0 : index
    %get3A_11 = arith.constant 0 : index
    %get3A_12 = vector.load %arg4[%get3A_9, %get3A_10, %get3A_11] : memref<2x512x16xf32, #tpu.memory_space<vmem>>, vector<1x512x1xf32>
    %get3A_13 = vector.shape_cast %get3A_12 : vector<1x512x1xf32> to vector<512x1xf32>
    %add3A = arith.addf %get3A_8, %get3A_13 : vector<512x1xf32>
    %add3A_14 = arith.constant 1.000000e+00 : f32
    %add3A_15 = vector.broadcast %add3A_14 : f32 to vector<512x1xf32>
    %add3A_16 = arith.addf %add3A, %add3A_15 : vector<512x1xf32>
    %rsqrt3A = math.rsqrt %add3A_16 : vector<512x1xf32>
    %get3A_17 = arith.constant 0 : index
    %get3A_18 = arith.constant 0 : index
    %get3A_19 = vector.load %arg1[%get3A_17, %get3A_18] : memref<512x128xf32, #tpu.memory_space<vmem>>, vector<512x128xf32>
    %get3A_20 = arith.constant 0 : index
    %get3A_21 = arith.constant 0 : index
    %get3A_22 = vector.load %arg2[%get3A_20, %get3A_21] : memref<128x128xf32, #tpu.memory_space<vmem>>, vector<128x128xf32>
    %dot_general3A = arith.constant dense<0.000000e+00> : vector<512x128xf32>
    %dot_general3A_23 = tpu.matmul %get3A_19, %get3A_22, %dot_general3A {dimension_numbers = #tpu.dot_dimension_numbers<[1], [1], [0], [0], [0, 0, 1, 0], [], []>, transpose_lhs_hint = false} : vector<512x128xf32>, vector<128x128xf32>, vector<512x128xf32> -> vector<512x128xf32>
    %mul3A = vector.broadcast %div3A_3 : f32 to vector<512x1xf32>
    %mul3A_24 = arith.mulf %rsqrt3A, %mul3A : vector<512x1xf32>
    %mul3A_25 = vector.broadcast %mul3A_24 : vector<512x1xf32> to vector<512x128xf32>
    %mul3A_26 = arith.mulf %dot_general3A_23, %mul3A_25 : vector<512x128xf32>
    %swap3A = arith.constant 0 : index
    %swap3A_27 = arith.constant 0 : index
    %swap3A_28 = vector.load %arg5[%swap3A, %swap3A_27] : memref<512x128xf32, #tpu.memory_space<vmem>>, vector<512x128xf32>
    tpu.vector_store %arg5[%swap3A, %swap3A_27], %mul3A_26 {strides = array<i32>} : memref<512x128xf32, #tpu.memory_space<vmem>>, vector<512x128xf32>,
    return
  }
  func.func @transform_0(%arg0: i32) -> (i32, i32) {
    %c0_i32 = arith.constant 0 : i32
    %c0_i32_0 = arith.constant 0 : i32
    return %arg0, %c0_i32 : i32, i32
  }
  func.func @transform_1(%arg0: i32) -> (i32, i32) {
    %c0_i32 = arith.constant 0 : i32
    %c0_i32_0 = arith.constant 0 : i32
    %c0_i32_1 = arith.constant 0 : i32
    return %c0_i32, %c0_i32_0 : i32, i32
  }
  func.func @transform_2(%arg0: i32) -> (i32, i32) {
    %c0_i32 = arith.constant 0 : i32
    %c0_i32_0 = arith.constant 0 : i32
    %c0_i32_1 = arith.constant 0 : i32
    return %c0_i32, %c0_i32_0 : i32, i32
  }
  func.func @transform_3(%arg0: i32) -> (i32, i32, i32) {
    %c0_i32 = arith.constant 0 : i32
    %c0_i32_0 = arith.constant 0 : i32
    %c0_i32_1 = arith.constant 0 : i32
    return %c0_i32, %arg0, %c0_i32_0 : i32, i32, i32
  }
  func.func @transform_4(%arg0: i32) -> (i32, i32) {
    %c0_i32 = arith.constant 0 : i32
    %c0_i32_0 = arith.constant 0 : i32
    return %arg0, %c0_i32 : i32, i32
  }
}

module attributes {stable_mosaic.version = 14 : i64} {
  func.func @_fin_body(%arg0: i32, %arg1: memref<400x128xf32, #tpu.memory_space<vmem>>, %arg2: memref<400x128xf32, #tpu.memory_space<vmem>>, %arg3: memref<2x400x16xf32, #tpu.memory_space<vmem>>, %arg4: memref<1x128xf32, #tpu.memory_space<vmem>>, %arg5: memref<400x128xf32, #tpu.memory_space<vmem>>) attributes {dimension_semantics = [#tpu.dimension_semantics<arbitrary>], iteration_bounds = array<i64: 25>, scalar_prefetch = 0 : i64, scratch_operands = 0 : i64, tpu.core_type = #tpu.core_type<tc>, window_params = [{transform_indices = @transform_0, window_bounds = array<i64: 400, 128>}, {transform_indices = @transform_1, window_bounds = array<i64: 400, 128>}, {transform_indices = @transform_2, window_bounds = array<i64: 2, 400, 16>}, {pipeline_mode = #tpu.pipeline_mode<synchronous>, transform_indices = @transform_3, window_bounds = array<i64: 1, 128>}, {transform_indices = @transform_4, window_bounds = array<i64: 400, 128>}]} {
    %get3A = arith.constant 0 : index
    %get3A_0 = arith.constant 0 : index
    %get3A_1 = arith.constant 0 : index
    %get3A_2 = vector.load %arg3[%get3A, %get3A_0, %get3A_1] : memref<2x400x16xf32, #tpu.memory_space<vmem>>, vector<1x400x1xf32>
    %get3A_3 = vector.shape_cast %get3A_2 : vector<1x400x1xf32> to vector<400x1xf32>
    %get3A_4 = arith.constant 1 : index
    %get3A_5 = arith.constant 0 : index
    %get3A_6 = arith.constant 0 : index
    %get3A_7 = vector.load %arg3[%get3A_4, %get3A_5, %get3A_6] : memref<2x400x16xf32, #tpu.memory_space<vmem>>, vector<1x400x1xf32>
    %get3A_8 = vector.shape_cast %get3A_7 : vector<1x400x1xf32> to vector<400x1xf32>
    %add3A = arith.addf %get3A_3, %get3A_8 : vector<400x1xf32>
    %add3A_9 = arith.constant 1.000000e+00 : f32
    %add3A_10 = vector.broadcast %add3A_9 : f32 to vector<400x1xf32>
    %add3A_11 = arith.addf %add3A, %add3A_10 : vector<400x1xf32>
    %rsqrt3A = math.rsqrt %add3A_11 : vector<400x1xf32>
    %get3A_12 = arith.constant 0 : index
    %get3A_13 = arith.constant 0 : index
    %get3A_14 = vector.load %arg1[%get3A_12, %get3A_13] : memref<400x128xf32, #tpu.memory_space<vmem>>, vector<400x128xf32>
    %get3A_15 = arith.constant 0 : index
    %get3A_16 = arith.constant 0 : index
    %get3A_17 = vector.load %arg2[%get3A_15, %get3A_16] : memref<400x128xf32, #tpu.memory_space<vmem>>, vector<400x128xf32>
    %add3A_18 = arith.addf %get3A_14, %get3A_17 : vector<400x128xf32>
    %mul3A = vector.broadcast %rsqrt3A : vector<400x1xf32> to vector<400x128xf32>
    %mul3A_19 = arith.mulf %add3A_18, %mul3A : vector<400x128xf32>
    %get3A_20 = arith.constant 0 : index
    %get3A_21 = arith.constant 0 : index
    %get3A_22 = vector.load %arg4[%get3A_20, %get3A_21] : memref<1x128xf32, #tpu.memory_space<vmem>>, vector<1x128xf32>
    %add3A_23 = vector.broadcast %get3A_22 : vector<1x128xf32> to vector<400x128xf32>
    %add3A_24 = arith.addf %mul3A_19, %add3A_23 : vector<400x128xf32>
    %reduce_sum3A = arith.constant dense<0.000000e+00> : vector<400xf32>
    %reduce_sum3A_25 = vector.multi_reduction <add>, %add3A_24, %reduce_sum3A [1] : vector<400x128xf32> to vector<400xf32>
    %broadcast_in_dim3A = vector.shape_cast %reduce_sum3A_25 : vector<400xf32> to vector<400x1xf32>
    %div3A = arith.constant 1.280000e+02 : f32
    %div3A_26 = vector.broadcast %div3A : f32 to vector<400x1xf32>
    %div3A_27 = arith.divf %broadcast_in_dim3A, %div3A_26 : vector<400x1xf32>
    %sub3A = vector.broadcast %div3A_27 : vector<400x1xf32> to vector<400x128xf32>
    %sub3A_28 = arith.subf %add3A_24, %sub3A : vector<400x128xf32>
    %mul3A_29 = arith.mulf %sub3A_28, %sub3A_28 : vector<400x128xf32>
    %reduce_sum3A_30 = arith.constant dense<0.000000e+00> : vector<400xf32>
    %reduce_sum3A_31 = vector.multi_reduction <add>, %mul3A_29, %reduce_sum3A_30 [1] : vector<400x128xf32> to vector<400xf32>
    %broadcast_in_dim3A_32 = vector.shape_cast %reduce_sum3A_31 : vector<400xf32> to vector<400x1xf32>
    %div3A_33 = arith.constant 1.280000e+02 : f32
    %div3A_34 = vector.broadcast %div3A_33 : f32 to vector<400x1xf32>
    %div3A_35 = arith.divf %broadcast_in_dim3A_32, %div3A_34 : vector<400x1xf32>
    %add3A_36 = arith.constant 9.99999974E-6 : f32
    %add3A_37 = vector.broadcast %add3A_36 : f32 to vector<400x1xf32>
    %add3A_38 = arith.addf %div3A_35, %add3A_37 : vector<400x1xf32>
    %rsqrt3A_39 = math.rsqrt %add3A_38 : vector<400x1xf32>
    %mul3A_40 = vector.broadcast %rsqrt3A_39 : vector<400x1xf32> to vector<400x128xf32>
    %mul3A_41 = arith.mulf %sub3A_28, %mul3A_40 : vector<400x128xf32>
    %ge3A = arith.constant 0.000000e+00 : f32
    %ge3A_42 = vector.broadcast %ge3A : f32 to vector<400x128xf32>
    %ge3A_43 = arith.cmpf oge, %mul3A_41, %ge3A_42 : vector<400x128xf32>
    %mul3A_44 = arith.constant 2.000000e-01 : f32
    %mul3A_45 = vector.broadcast %mul3A_44 : f32 to vector<400x128xf32>
    %mul3A_46 = arith.mulf %mul3A_45, %mul3A_41 : vector<400x128xf32>
    %select_n3A = arith.select %ge3A_43, %mul3A_41, %mul3A_46 : vector<400x128xi1>, vector<400x128xf32>
    %swap3A = arith.constant 0 : index
    %swap3A_47 = arith.constant 0 : index
    %swap3A_48 = vector.load %arg5[%swap3A, %swap3A_47] : memref<400x128xf32, #tpu.memory_space<vmem>>, vector<400x128xf32>
    tpu.vector_store %arg5[%swap3A, %swap3A_47], %select_n3A {strides = array<i32>} : memref<400x128xf32, #tpu.memory_space<vmem>>, vector<400x128xf32>,
    return
  }
  func.func @transform_0(%arg0: i32) -> (i32, i32) {
    %c0_i32 = arith.constant 0 : i32
    %c0_i32_0 = arith.constant 0 : i32
    return %arg0, %c0_i32 : i32, i32
  }
  func.func @transform_1(%arg0: i32) -> (i32, i32) {
    %c0_i32 = arith.constant 0 : i32
    %c0_i32_0 = arith.constant 0 : i32
    return %arg0, %c0_i32 : i32, i32
  }
  func.func @transform_2(%arg0: i32) -> (i32, i32, i32) {
    %c0_i32 = arith.constant 0 : i32
    %c0_i32_0 = arith.constant 0 : i32
    %c0_i32_1 = arith.constant 0 : i32
    return %c0_i32, %arg0, %c0_i32_0 : i32, i32, i32
  }
  func.func @transform_3(%arg0: i32) -> (i32, i32) {
    %c0_i32 = arith.constant 0 : i32
    %c0_i32_0 = arith.constant 0 : i32
    %c0_i32_1 = arith.constant 0 : i32
    return %c0_i32, %c0_i32_0 : i32, i32
  }
  func.func @transform_4(%arg0: i32) -> (i32, i32) {
    %c0_i32 = arith.constant 0 : i32
    %c0_i32_0 = arith.constant 0 : i32
    return %arg0, %c0_i32 : i32, i32
  }
}

</mosaic_0001>

<sc_bundles>
// kernel: kernel.10.cloned.1.call-start
scs
__scs_entry_jumppad:
0x0: {  	(pc) =	sbr.rel $0x88, $3  }
0x1: {  	(tag) =	ssettag $0x0;
	lr =	simm.s32 $0x1  }
0x2: {  	[smem:$0x3F9D] =	sst lr;
	_ =	strace $0xD0000000  }
0x3: {  	_ = 	snop  }
0x4: {  	_ = 	snop  }
0x5: {  	_ = 	snop  }
0x6: {  	_ = 	snop  }
0x7: {  	_ = 	snop  }
__scs_overlays_trampoline_lowered:
0x8: {  	[smem:$0x3FAC] =	sst s0  }
0x9: {  	[smem:$0x3FAD] =	sst s1  }
0xa: {  	[smem:$0x3FAE] =	sst s2  }
0xb: {  	[smem:$0x3FAF] =	sst s3  }
0xc: {  	[smem:$0x3FB0] =	sst s4  }
0xd: {  	[smem:$0x3FB1] =	sst s5  }
0xe: {  	[smem:$0x3FB2] =	sst s6  }
0xf: {  	[smem:$0x3FB3] =	sst s7  }
0x10: {  	[smem:$0x3FB4] =	sst s8  }
0x11: {  	[smem:$0x3FB5] =	sst s9;
	s0 =	simm.s32 @!p0 $0x0  }
0x12: {  	s1 =	sld [smem:$0x3F9B];
	s0 =	simm.s32 @p0 $0x1  }
0x13: {  	[smem:$0x3FB6] =	sst s0;
	s0 =	simm.s32 @!p1 $0x0  }
0x14: {  	s2 =	sld [smem:$0x3F9A];
	s0 =	simm.s32 @p1 $0x1  }
0x15: {  	[smem:$0x3FB7] =	sst s0;
	s0 =	simm.s32 @!p2 $0x0  }
0x16: {  	s3 =	sld [smem:$0x3FDB];
	s0 =	simm.s32 @p2 $0x1  }
0x17: {  	s4 =	simm.s32 $0x1BF5;
	[smem:$0x3FB9] =	sst s0  }
0x18: {  	s0 =	sld [smem:$0x3F9C];
	_ =	swait.ge [sflag:s4], $0x0  }
0x19: {  	s7 =	sld [smem:$0x3F9D]  }
0x1a: {  	s8 =	sadd.s32 $0xFFFFE003, lr  }
0x1b: {  	s9 =	sadd.s32 $0xFFFFFEF7, lr;
	s5 =	simm.s32 $0xFFFFFFFF;
	p2 =	slt.u32 s8, $0xFFFFF086  }
0x1c: {  	p1 =	slt.u32 s9, $0xF7A;
	s5 =	simm.s32 @!p2 $0x0  }
0x1d: {  	s5 =	simm.s32 @p1 $0x1;
	p0 =	seq.s32 s7, s2  }
0x1e: {  	s7 =	smul.u32 @!p0 $0xF7A, s2;
	p2 =	seq.s32 @!p0 s5, $0x0  }
0x1f: {  	s9 =	smul.u32 $0xF7A, s1;
	s8 =	simm.s32 @!p0 $0x1BF5;
	p2 =	por !p2, p0  }
0x20: {  	[sflag:s8] =	ssyncset.s32 @!p0 $0xFFFFF086;
	s6 =	sadd.s32 @!p0 s3, s7;
	s7 =	simm.s32 @!p0 $0x108  }
0x21: {  	s3 =	sadd.s32 s3, s9;
	s6 =	sadd.s32 @!p0 $0x88, s6;
	s7 =	simm.s32 @p2 $0x1082  }
0x22: {  	[simem:s7], [sflag:s8] =	dma.local @!p0 [hbm:s6], $0xF7A  }
0x23: {  	s9 =	sor.u32 $0xD0000000, s2;
	s6 =	simm.s32 $0x108;
	_ =	swait.ge @!p0 [sflag:s8], $0x0  }
0x24: {  	s3 =	sadd.s32 $0x88, s3;
	s6 =	simm.s32 @!p1 $0x1082;
	[sflag:s4] =	ssyncset.s32 $0xFFFFF086  }
0x25: {  	[simem:s6], [sflag:s4] =	dma.local [hbm:s3], $0xF7A  }
0x26: {  	[smem:$0x3F9D] =	sst s1;
	(tag) =	ssettag s2;
	_ =	strace s9  }
0x27: {  	s1 =	sld [smem:$0x3FAD]  }
0x28: {  	s2 =	sld [smem:$0x3FAE]  }
0x29: {  	s4 =	sld [smem:$0x3FB0]  }
0x2a: {  	p0 =	seq.s32 s5, $0x0;
	s5 =	sld [smem:$0x3FB1]  }
0x2b: {  	s6 =	sld [smem:$0x3FB2]  }
0x2c: {  	s7 =	sld [smem:$0x3FB3]  }
0x2d: {  	s3 =	simm.s32 $0x108;
	s8 =	sld [smem:$0x3FB4]  }
0x2e: {  	s3 =	simm.s32 @!p0 $0x1082;
	s9 =	sld [smem:$0x3FB5]  }
0x2f: {  	lr =	sadd.s32 s0, s3;
	s0 =	sld [smem:$0x3FAC]  }
0x30: {  	s3 =	sld [smem:$0x3FAF]  }
0x31: {  	[smem:$0x3FB8] =	sst s10  }
0x32: {  	s10 =	sld [smem:$0x3FB6];
	_ =	sdelay $0x3  }
0x33: {  	p0 =	seq.s32 s10, $0x1;
	s10 =	sld [smem:$0x3FB8];
	_ =	sdelay $0x3  }
0x34: {  	[smem:$0x3FB8] =	sst s10  }
0x35: {  	s10 =	sld [smem:$0x3FB7];
	_ =	sdelay $0x3  }
0x36: {  	p1 =	seq.s32 s10, $0x1;
	s10 =	sld [smem:$0x3FB8];
	_ =	sdelay $0x3  }
0x37: {  	[smem:$0x3FB8] =	sst s10  }
0x38: {  	s10 =	sld [smem:$0x3FB9]  }
0x39: {  	_ = 	snop;
	(pc) =	sbr.ind lr, $3  }
0x3a: {  	_ = 	snop  }
0x3b: {  	_ = 	snop  }
0x3c: {  	p2 =	seq.s32 s10, $0x1;
	s10 =	sld [smem:$0x3FB8]  }
0x3d: {  	_ =	shalt  }
0x3e: {  	_ =	shalt  }
0x3f: {  	_ =	shalt  }
0x40: {  	_ =	shalt  }
0x41: {  	_ =	shalt  }
0x42: {  	_ =	shalt  }
0x43: {  	_ =	shalt  }
0x44: {  	_ =	shalt  }
0x45: {  	_ =	shalt  }
0x46: {  	_ =	shalt  }
0x47: {  	_ =	shalt  }
0x48: {  	_ =	shalt  }
0x49: {  	_ =	shalt  }
0x4a: {  	_ =	shalt  }
0x4b: {  	_ =	shalt  }
0x4c: {  	_ =	shalt  }
0x4d: {  	_ =	shalt  }
0x4e: {  	_ =	shalt  }
0x4f: {  	_ =	shalt  }
0x50: {  	_ =	shalt  }
0x51: {  	_ =	shalt  }
0x52: {  	_ =	shalt  }
0x53: {  	_ =	shalt  }
0x54: {  	_ =	shalt  }
0x55: {  	_ =	shalt  }
0x56: {  	_ =	shalt  }
0x57: {  	_ =	shalt  }
0x58: {  	_ =	shalt  }
0x59: {  	_ =	shalt  }
0x5a: {  	_ =	shalt  }
0x5b: {  	_ =	shalt  }
0x5c: {  	_ =	shalt  }
0x5d: {  	_ =	shalt  }
0x5e: {  	_ =	shalt  }
0x5f: {  	_ =	shalt  }
0x60: {  	_ =	shalt  }
0x61: {  	_ =	shalt  }
0x62: {  	_ =	shalt  }
0x63: {  	_ =	shalt  }
0x64: {  	_ =	shalt  }
0x65: {  	_ =	shalt  }
0x66: {  	_ =	shalt  }
0x67: {  	_ =	shalt  }
0x68: {  	_ =	shalt  }
0x69: {  	_ =	shalt  }
0x6a: {  	_ =	shalt  }
0x6b: {  	_ =	shalt  }
0x6c: {  	_ =	shalt  }
0x6d: {  	_ =	shalt  }
0x6e: {  	_ =	shalt  }
0x6f: {  	_ =	shalt  }
0x70: {  	_ =	shalt  }
0x71: {  	_ =	shalt  }
0x72: {  	_ =	shalt  }
0x73: {  	_ =	shalt  }
0x74: {  	_ =	shalt  }
0x75: {  	_ =	shalt  }
0x76: {  	_ =	shalt  }
0x77: {  	_ =	shalt  }
0x78: {  	_ =	shalt  }
0x79: {  	_ =	shalt  }
0x7a: {  	_ =	shalt  }
0x7b: {  	_ =	shalt  }
0x7c: {  	_ =	shalt  }
0x7d: {  	_ =	shalt  }
0x7e: {  	_ =	shalt  }
0x7f: {  	_ =	shalt  }
0x80: {  	_ =	shalt  }
0x81: {  	_ =	shalt  }
0x82: {  	_ =	shalt  }
0x83: {  	_ =	shalt  }
0x84: {  	_ =	shalt  }
0x85: {  	_ =	shalt  }
0x86: {  	_ =	shalt  }
0x87: {  	_ =	shalt  }
.Lfunc_end0:
.L_simem_size_0:
called_computation.1_lowered:
.L_overlay_start_0:
0x88: {  	s2 =	sld [smem:$0x3FD9]  }
0x89: {  	s3 =	sld [smem:$0x3FFE];
	_ =	sdelay $0x1  }
0x8a: {  	s1 =	srdreg.scid  }
0x8b: {  	s0 =	sand.u32 $0x1, s1  }
0x8c: {  	s17 =	sshll.u32 s0, $0xA;
	s2 =	sadd.s32 s3, s2  }
0x8d: {  	s2 =	sadd.s32 s2, s17  }
0x8e: {  	[smem:$0x3FC4] =	sst s2  }
0x8f: {  	_ = 	snop  }
0x90: {  	s2 =	sld [smem:$0x3FD0];
	(tm) =	ssettm $0x1  }
0x91: {  	s18 =	sld [smem:$0x3FFB];
	_ =	sdelay $0x3  }
0x92: {  	_ =	strace s18  }
0x93: {  	s3 =	sld [smem:$0x3FFC];
	_ =	sdelay $0x3  }
0x94: {  	_ =	strace s3  }
0x95: {  	s3 =	sld [smem:$0x3FFD];
	_ =	sdelay $0x3  }
0x96: {  	_ =	strace s3  }
0x97: {  	_ =	strace $0x8FFFFFFF  }
0x98: {  	s19 =	sld [smem:$0x3FDB];
	_ =	sdelay $0x1  }
0x99: {  	s4 =	simm.s32 $_scs_section_size  }
0x9a: {  	s5 =	simm.s32 $_size__tile_overlayer_lowered;
	s6 =	simm.s32 $_tile_overlayer_lowered  }
0x9b: {  	s22 =	simm.s32 $0x1BFF;
	s21 =	sshll.u32 s6, $0x1;
	s3 =	sadd.s32 s4, s19  }
0x9c: {  	s7 =	simm.s32 $0x0;
	s20 =	sshll.u32 s5, $0x1;
	s5 =	sadd.s32 s21, s3  }
0x9d: {  	[timem:s7], [sflag:s22] =	dma.local [hbm:s5], s20  }
0x9e: {  	_ =	swait.ge [sflag:s22], s20  }
0x9f: {  	s4 =	ssub.s32 $0x0, s20;
	[sflag:s22] =	ssyncset.done $0x0  }
0xa0: {  	[sflag:s22] =	ssyncadd.s32 s4;
	_ =	sdelay $0x1  }
0xa1: {  	s23 =	simm.s32 $0x1B8B  }
0xa2: {  	_ =	swait.ge [sflag:s23], $0x1  }
0xa3: {  	[sflag:s23] =	ssyncset.done $0x0  }
0xa4: {  	s25 =	simm.s32 $0x1B8E;
	s24 =	sld [smem:$0x3FFE];
	[sflag:s23] =	ssyncadd.s32 $0xFFFFFFFF  }
0xa5: {  	s26 =	simm.s32 $execute0_lowered;
	[smem:$0x3FD2] =	sst s25  }
0xa6: {  	s5 =	sshll.u32 s26, $0x1;
	_ =	strace $0x80000049;
	[dreg:$0x1] =	wrdreg $0xFFFFFFFF  }
0xa7: {  	s28 =	simm.s32 $_size_execute0_lowered;
	s3 =	sadd.s32 s3, s5;
	[dreg:$0x0] =	wrdreg $0x0  }
0xa8: {  	s5 =	sshll.u32 s28, $0x1;
	[dreg:$0x2] =	wrdreg s3  }
0xa9: {  	[dreg:$0x3] =	wrdreg s5  }
0xaa: {  	[dreg:$0x4] =	wrdreg $0xC0  }
0xab: {  	_ =	task [dreg:s7], $0x5FFFF  }
0xac: {  	[dreg:$0x1] =	wrdreg $0xFFFFFFFF  }
0xad: {  	[dreg:$0x0] =	wrdreg $0x60  }
0xae: {  	[dreg:$0x2] =	wrdreg s24  }
0xaf: {  	[dreg:$0x3] =	wrdreg s2  }
0xb0: {  	[dreg:$0x4] =	wrdreg $0x0  }
0xb1: {  	[dreg:$0x5] =	wrdreg $0xA0000  }
0xb2: {  	[dreg:$0x6] =	wrdreg $0x9  }
0xb3: {  	_ =	task.clear_ibuf [dreg:s7], $0x7FFFF;
	_ =	strace $0x90000049  }
0xb4: {  	s29 =	simm.s32 $0x9;
	_ =	strace $0x8000004B  }
0xb5: {  	_ =	swait.ge [sflag:s29], $0x1  }
0xb6: {  	[sflag:s29] =	ssyncadd.s32 $0xFFFFFFFF  }
0xb7: {  	_ =	strace $0x9000004B  }
0xb8: {  	_ =	sfence  }
0xb9: {  	s30 =	sld [smem:$0x0];
	_ =	sdelay $0x2  }
0xba: {  	s31 =	sshll.u32 s1, $0xD;
	s1 =	sshrl.u32 s1, $0x2  }
0xbb: {  	s3 =	sand.u32 $0x4000, s31;
	s1 =	sadd.s32 s1, s30  }
0xbc: {  	s0 =	sor.u32 s3, s0;
	s1 =	sshll.u32 s1, $0x11  }
0xbd: {  	s0 =	sor.u32 s1, s0  }
0xbe: {  	s0 =	sadd.s32 $0x8F2B, s0  }
0xbf: {  	[sflag:s0] =	ssyncadd.remote.s32 $0x1  }
0xc0: {  	_ =	sfence.sel $0xFFFF  }
0xc1: {  	[dreg:$0x0] =	wrdreg $0xFFFFFFFF;
	(pc) =	sbr.abs _section_cstart, $3  }
0xc2: {  	[dreg:$0x1] =	wrdreg $0xFFFFFFFF  }
0xc3: {  	_ =	task.clear_ibuf [dreg:s7], $0x2FFFF;
	_ =	strace $0x9FFFFFFF  }
0xc4: {  	(tm) =	ssettm $0x7FFFFFFF  }
0xc5: {  	_ =	shalt  }
tec
execute0_lowered:
.L_overlay_start_1:
0x0: {  	(tag) =	ssettag $0x1  }
0x1: {  	s0 =	rddreg [dreg:$0x0]  }
0x2: {  	s1 =	rddreg [dreg:$0x1]  }
0x3: {  	s2 =	rddreg [dreg:$0x2]  }
0x4: {  	s3 =	rddreg [dreg:$0x3]  }
0x5: {  	s5 =	srdreg.scid;
	s8 =	stileid.u32  }
0x6: {  	s4 =	simm.s32 $0x0;
	s28 =	simm.s32 $0x8;
	s6 =	smul.u32 $0x14000, s8  }
0x7: {  	s29 =	simm.s32 $0x10;
	s30 =	simm.s32 $0x4;
	s12 =	smul.u32 $0xA80, s8  }
0x8: {  	s31 =	simm.s32 $0x14000;
	s5 =	sand.u32 $0x1, s5;
	s11 =	smul.u32 $0xA000, s8  }
0x9: {  	[smem:$0x7FF] =	sst s4;
	s10 =	sadd.s32 $0xBA00, s0;
	s15 =	smul.u32 $0x5400, s8  }
0xa: {  	s9 =	smul.u32 $0x28000, s8;
	s8 =	sshll.u32 s8, $0x6;
	s7 =	sshll.u32 s5, $0x6  }
0xb: {  	_ =	strace $0x8000004A;
	s5 =	ssub.s32 $0x2, s5;
	s8 =	sor.u32 $0x1C04, s8  }
0xc: {  	s6 =	sor.u32 s7, s6;
	s13 =	sshrl.u32 s5, $0x1;
	s14 =	sadd.s32 s10, s12  }
0xd: {  	s7 =	sadd.s32 s1, s12;
	s16 =	sadd.s32 s11, s2;
	s9 =	sshrl.u32 s9, $0x2  }
0xe: {  	s26 =	sadd.s32 s11, s3;
	s11 =	simm.s32 $0x1A980;
	[dreg:$0x5] =	wrdreg s14  }
0xf: {  	s6 =	sshrl.u32 s6, $0x3;
	s5 =	ssub.s32 s5, s13;
	[dreg:$0x6] =	wrdreg s7  }
0x10: {  	s9 =	sadd.s32 s9, s3;
	s7 =	simm.s32 $0x19480;
	s0 =	sadd.s32 s6, s0  }
0x11: {  	s6 =	sshrl.u32 s15, $0x3;
	s17 =	smax.u32 s5, $0x1;
	s18 =	sadd.s32 $0x2000, s9  }
0x12: {  	s19 =	sadd.s32 $0x4000, s9;
	s20 =	sadd.s32 $0x6000, s9;
	s12 =	sadd.s32 $0x16200, s0  }
0x13: {  	s22 =	sadd.s32 $0x2A0, s6;
	s0 =	sadd.s32 $0x3E200, s0;
	[dreg:$0x7] =	wrdreg s12  }
0x14: {  	s21 =	sadd.s32 $0x8000, s9;
	s13 =	sadd.s32 s10, s22;
	[dreg:$0xe] =	wrdreg s0  }
0x15: {  	s23 =	sadd.s32 $0x540, s6;
	s12 =	sadd.s32 s1, s22;
	[dreg:$0x8] =	wrdreg s13  }
0x16: {  	s5 =	simm.s32 $0x16000;
	s24 =	sadd.s32 s10, s23;
	[dreg:$0x9] =	wrdreg s12  }
0x17: {  	s6 =	sadd.s32 $0x7E0, s6;
	s25 =	sadd.s32 s1, s23;
	[dreg:$0xa] =	wrdreg s24  }
0x18: {  	s10 =	sadd.s32 s10, s6;
	s1 =	sadd.s32 s1, s6;
	[dreg:$0xb] =	wrdreg s25  }
0x19: {  	s22 =	simm.s32 $0x18000;
	s23 =	simm.s32 $0x19500;
	[dreg:$0xc] =	wrdreg s10  }
0x1a: {  	s0 =	simm.s32 $0x3;
	s6 =	simm.s32 $0x2;
	[dreg:$0xd] =	wrdreg s1  }
0x1b: {  	s24 =	sshrl.u32 s16, $0x3;
	s25 =	sshrl.u32 s26, $0x3;
	s26 =	simm.s32 $0x1  }
0x1c: {  	v0 =	vimm.f32 $0.0e+00;
	s1 =	simm.s32 $0x80;
	s10 =	simm.s32 $0x1A900;
	s12 =	simm.s32 $0x0  }
.LBB2_1:
0x1d: {  	s13 =	rddreg [dreg:$0x5]  }
0x1e: {  	s14 =	rddreg [dreg:$0x6]  }
0x1f: {  	[tilespmem:s22], [sflag:$0x3] =	stream.linear.gather [hbm4b:s13+s4], $0x1500, $0x38;
	[tilespmem:$0x1AA00] =	vst v63  }
0x20: {  	s15 =	rddreg [dreg:$0x7]  }
0x21: {  	[tilespmem:s23], [sflag:$0x3] =	stream.linear.gather [hbm4b:s14+s4], $0x1500, $0x38;
	[tilespmem:$0x1AA00] =	vst v63  }
0x22: {  	[spmem:s24@s28], [sflag:s8] =	dma.strided [hbm:s15@s29], $0x1400, s26, $0x8   }
0x23: {  	s16 =	sand.u32 $0x7F00, s4;
	s13 =	simm.s32 $0x40;
	_ =	swait.ge [sflag:s30], $0x1400  }
0x24: {  	s14 =	sand.u32 $0x30, s4;
	s15 =	sshrl.u32 s16, $0x2;
	[sflag:s30] =	ssyncset.done $0x0  }
0x25: {  	s15 =	sor.u32 s14, s15;
	s14 =	simm.s32 $0x0;
	[sflag:s30] =	ssyncadd.s32 $0xFFFFEC00  }
.LBB2_2:
0x26: {  	p0 =	sne.s32 s13, $0x7FC0  }
0x27: {  	[tilespmem:s15+$0x14000] =	vst v0;
	s14 =	sadd.s32 $0x10, s14;
	s15 =	smov.u32 s13;
	s13 =	sadd.s32 $0x40, s13  }
.Ltmp0:
0x28: {  	(pc) =	sbr.rel @p0 .LBB2_2-.Ltmp0, $4  }
0x29: {  	_ = 	snop  }
0x2a: {  	s15 =	sand.u32 $0x7F00, s15  }
0x2b: {  	s16 =	sand.u32 $0x30, s14;
	s15 =	sshrl.u32 s15, $0x2  }
0x2c: {  	s15 =	sor.u32 s16, s15  }
0x2d: {  	[tilespmem:s15+$0x14000] =	vst v0  }
0x2e: {  	[spmem:s9] =	stream.linear.scatter [tilespmem:s31], [sflag:$0x4], $0x2000, $0x38;
	[tilespmem:$0x1AA00] =	vst v63  }
0x2f: {  	_ =	swait.ge [sflag:s30], $0x2000  }
0x30: {  	[sflag:s30] =	ssyncset.done $0x0  }
0x31: {  	[sflag:s30] =	ssyncadd.s32 $0xFFFFE000  }
0x32: {  	[spmem:s18] =	stream.linear.scatter [tilespmem:s31], [sflag:$0x4], $0x2000, $0x38;
	[tilespmem:$0x1AA00] =	vst v63  }
0x33: {  	_ =	swait.ge [sflag:s30], $0x2000  }
0x34: {  	[sflag:s30] =	ssyncset.done $0x0  }
0x35: {  	[sflag:s30] =	ssyncadd.s32 $0xFFFFE000  }
0x36: {  	[spmem:s19] =	stream.linear.scatter [tilespmem:s31], [sflag:$0x4], $0x2000, $0x38;
	[tilespmem:$0x1AA00] =	vst v63  }
0x37: {  	_ =	swait.ge [sflag:s30], $0x2000  }
0x38: {  	[sflag:s30] =	ssyncset.done $0x0  }
0x39: {  	[sflag:s30] =	ssyncadd.s32 $0xFFFFE000  }
0x3a: {  	[spmem:s20] =	stream.linear.scatter [tilespmem:s31], [sflag:$0x4], $0x2000, $0x38;
	[tilespmem:$0x1AA00] =	vst v63  }
0x3b: {  	_ =	swait.ge [sflag:s30], $0x2000  }
0x3c: {  	[sflag:s30] =	ssyncset.done $0x0  }
0x3d: {  	[sflag:s30] =	ssyncadd.s32 $0xFFFFE000  }
0x3e: {  	[spmem:s21] =	stream.linear.scatter [tilespmem:s31], [sflag:$0x4], $0x2000, $0x38;
	[tilespmem:$0x1AA00] =	vst v63  }
0x3f: {  	_ =	swait.ge [sflag:s30], $0x2000  }
0x40: {  	[sflag:s30] =	ssyncset.done $0x0  }
0x41: {  	[sflag:s30] =	ssyncadd.s32 $0xFFFFE000  }
0x42: {  	_ =	swait.ge [sflag:s0], $0x1500  }
0x43: {  	[sflag:s0] =	ssyncset.done $0x0  }
0x44: {  	[sflag:s0] =	ssyncadd.s32 $0xFFFFEB00  }
0x45: {  	_ =	swait.ge [sflag:s0], $0x1500  }
0x46: {  	[sflag:s0] =	ssyncset.done $0x0  }
0x47: {  	[sflag:s0] =	ssyncadd.s32 $0xFFFFEB00  }
0x48: {  	[bflag:$0x0] =	sbarrier.arrive $0xFFFF  }
0x49: {  	[tilespmem:s31], [sflag:$0x1] =	stream.indirect.gather [spmem:s2], $0x40, s22, s1, $0xb8;
	[tilespmem:$0x1AA00] =	vst v63  }
0x4a: {  	_ =	swait.ge [sflag:s26], $0x2000  }
0x4b: {  	[sflag:s26] =	ssyncset.done $0x0  }
0x4c: {  	s13 =	simm.s32 $0x18080;
	[sflag:s26] =	ssyncadd.s32 $0xFFFFE000  }
0x4d: {  	[tilespmem:s5], [sflag:$0x2] =	stream.indirect.gather [spmem:s2], $0x40, s13, s1, $0xb8;
	[tilespmem:$0x1AA00] =	vst v63  }
0x4e: {  	s14 =	simm.s32 $0x19500  }
0x4f: {  	[spmem:s3] =	stream.indirect.scatter.add.f32 [tilespmem:s31], [sflag:$0x4], $0x40, s14, s1, $0xb8;
	[tilespmem:$0x1AA00] =	vst v63  }
0x50: {  	_ =	swait.ge [sflag:s30], $0x2000  }
0x51: {  	[sflag:s30] =	ssyncset.done $0x0  }
0x52: {  	s15 =	simm.s32 $0x18100;
	[sflag:s30] =	ssyncadd.s32 $0xFFFFE000  }
0x53: {  	[tilespmem:s31], [sflag:$0x1] =	stream.indirect.gather [spmem:s2], $0x40, s15, s1, $0xb8;
	[tilespmem:$0x1AA00] =	vst v63  }
0x54: {  	_ =	swait.ge [sflag:s6], $0x2000  }
0x55: {  	[sflag:s6] =	ssyncset.done $0x0  }
0x56: {  	s16 =	simm.s32 $0x19580;
	[sflag:s6] =	ssyncadd.s32 $0xFFFFE000  }
0x57: {  	[spmem:s3] =	stream.indirect.scatter.add.f32 [tilespmem:s5], [sflag:$0x4], $0x40, s16, s1, $0xb8;
	[tilespmem:$0x1AA00] =	vst v63  }
0x58: {  	_ =	swait.ge [sflag:s30], $0x2000  }
0x59: {  	s13 =	simm.s32 $0x400;
	[sflag:s30] =	ssyncset.done $0x0  }
.LBB2_4:
0x5a: {  	p0 =	sne.s32 s13, $0x4C00  }
0x5b: {  	[sflag:s30] =	ssyncadd.s32 $0xFFFFE000;
	s14 =	smov.u32 s13;
	s13 =	sadd.s32 $0x400, s13  }
0x5c: {  	_ =	swait.ge [sflag:s26], $0x2000  }
0x5d: {  	s14 =	sshra.s32 s14, $0x2;
	[sflag:s26] =	ssyncset.done $0x0  }
0x5e: {  	s15 =	sadd.s32 $0x18080, s14;
	[sflag:s26] =	ssyncadd.s32 $0xFFFFE000  }
0x5f: {  	[tilespmem:s5], [sflag:$0x2] =	stream.indirect.gather [spmem:s2], $0x40, s15, s1, $0xb8;
	[tilespmem:$0x1AA00] =	vst v63  }
0x60: {  	s15 =	sadd.s32 $0x19500, s14  }
0x61: {  	[spmem:s3] =	stream.indirect.scatter.add.f32 [tilespmem:s31], [sflag:$0x4], $0x40, s15, s1, $0xb8;
	[tilespmem:$0x1AA00] =	vst v63  }
0x62: {  	_ =	swait.ge [sflag:s30], $0x2000  }
0x63: {  	[sflag:s30] =	ssyncset.done $0x0  }
0x64: {  	s15 =	sadd.s32 $0x18100, s14;
	[sflag:s30] =	ssyncadd.s32 $0xFFFFE000  }
0x65: {  	[tilespmem:s31], [sflag:$0x1] =	stream.indirect.gather [spmem:s2], $0x40, s15, s1, $0xb8;
	[tilespmem:$0x1AA00] =	vst v63  }
0x66: {  	_ =	swait.ge [sflag:s6], $0x2000  }
.Ltmp1:
0x67: {  	[sflag:s6] =	ssyncset.done $0x0;
	(pc) =	sbr.rel @p0 .LBB2_4-.Ltmp1, $4  }
0x68: {  	s14 =	sadd.s32 $0x19580, s14;
	[sflag:s6] =	ssyncadd.s32 $0xFFFFE000  }
0x69: {  	[spmem:s3] =	stream.indirect.scatter.add.f32 [tilespmem:s5], [sflag:$0x4], $0x40, s14, s1, $0xb8;
	[tilespmem:$0x1AA00] =	vst v63  }
0x6a: {  	_ =	swait.ge [sflag:s30], $0x2000  }
0x6b: {  	[sflag:s30] =	ssyncset.done $0x0  }
0x6c: {  	[sflag:s30] =	ssyncadd.s32 $0xFFFFE000  }
0x6d: {  	_ =	swait.ge [sflag:s26], $0x2000  }
0x6e: {  	[sflag:s26] =	ssyncset.done $0x0  }
0x6f: {  	[sflag:s26] =	ssyncadd.s32 $0xFFFFE000  }
0x70: {  	[tilespmem:s5], [sflag:$0x2] =	stream.indirect.gather [spmem:s2], $0x40, s7, s1, $0xb8;
	[tilespmem:$0x1AA00] =	vst v63  }
0x71: {  	_ = 	snop  }
0x72: {  	[spmem:s3] =	stream.indirect.scatter.add.f32 [tilespmem:s31], [sflag:$0x4], $0x40, s10, s1, $0xb8;
	[tilespmem:$0x1AA00] =	vst v63  }
0x73: {  	_ =	swait.ge [sflag:s30], $0x2000  }
0x74: {  	[sflag:s30] =	ssyncset.done $0x0  }
0x75: {  	[sflag:s30] =	ssyncadd.s32 $0xFFFFE000  }
0x76: {  	_ =	swait.ge [sflag:s6], $0x2000  }
0x77: {  	[sflag:s6] =	ssyncset.done $0x0  }
0x78: {  	[sflag:s6] =	ssyncadd.s32 $0xFFFFE000  }
0x79: {  	[spmem:s3] =	stream.indirect.scatter.add.f32 [tilespmem:s5], [sflag:$0x4], $0x40, s11, s1, $0xb8;
	[tilespmem:$0x1AA00] =	vst v63  }
0x7a: {  	_ =	swait.ge [sflag:s30], $0x2000  }
0x7b: {  	[sflag:s30] =	ssyncset.done $0x0  }
0x7c: {  	s13 =	simm.s32 $0x0;
	s14 =	rddreg [dreg:$0x8];
	[sflag:s30] =	ssyncadd.s32 $0xFFFFE000  }
0x7d: {  	[tilespmem:s22], [sflag:$0x3] =	stream.linear.gather [hbm4b:s14+s13], $0x1500, $0x38;
	[tilespmem:$0x1AA00] =	vst v63  }
0x7e: {  	s15 =	rddreg [dreg:$0x9]  }
0x7f: {  	[tilespmem:s23], [sflag:$0x3] =	stream.linear.gather [hbm4b:s15+s13], $0x1500, $0x38;
	[tilespmem:$0x1AA00] =	vst v63  }
0x80: {  	_ =	swait.ge [sflag:s0], $0x1500  }
0x81: {  	[sflag:s0] =	ssyncset.done $0x0  }
0x82: {  	[sflag:s0] =	ssyncadd.s32 $0xFFFFEB00  }
0x83: {  	_ =	swait.ge [sflag:s0], $0x1500  }
0x84: {  	[sflag:s0] =	ssyncset.done $0x0  }
0x85: {  	[sflag:s0] =	ssyncadd.s32 $0xFFFFEB00  }
0x86: {  	[tilespmem:s31], [sflag:$0x1] =	stream.indirect.gather [spmem:s2], $0x40, s22, s1, $0xb8;
	[tilespmem:$0x1AA00] =	vst v63  }
0x87: {  	_ =	swait.ge [sflag:s26], $0x2000  }
0x88: {  	[sflag:s26] =	ssyncset.done $0x0  }
0x89: {  	s16 =	simm.s32 $0x18080;
	[sflag:s26] =	ssyncadd.s32 $0xFFFFE000  }
0x8a: {  	[tilespmem:s5], [sflag:$0x2] =	stream.indirect.gather [spmem:s2], $0x40, s16, s1, $0xb8;
	[tilespmem:$0x1AA00] =	vst v63  }
0x8b: {  	s14 =	simm.s32 $0x19500  }
0x8c: {  	[spmem:s3] =	stream.indirect.scatter.add.f32 [tilespmem:s31], [sflag:$0x4], $0x40, s14, s1, $0xb8;
	[tilespmem:$0x1AA00] =	vst v63  }
0x8d: {  	_ =	swait.ge [sflag:s30], $0x2000  }
0x8e: {  	[sflag:s30] =	ssyncset.done $0x0  }
0x8f: {  	s15 =	simm.s32 $0x18100;
	[sflag:s30] =	ssyncadd.s32 $0xFFFFE000  }
0x90: {  	[tilespmem:s31], [sflag:$0x1] =	stream.indirect.gather [spmem:s2], $0x40, s15, s1, $0xb8;
	[tilespmem:$0x1AA00] =	vst v63  }
0x91: {  	_ =	swait.ge [sflag:s6], $0x2000  }
0x92: {  	[sflag:s6] =	ssyncset.done $0x0  }
0x93: {  	s16 =	simm.s32 $0x19580;
	[sflag:s6] =	ssyncadd.s32 $0xFFFFE000  }
0x94: {  	[spmem:s3] =	stream.indirect.scatter.add.f32 [tilespmem:s5], [sflag:$0x4], $0x40, s16, s1, $0xb8;
	[tilespmem:$0x1AA00] =	vst v63  }
0x95: {  	_ =	swait.ge [sflag:s30], $0x2000  }
0x96: {  	s13 =	simm.s32 $0x400;
	[sflag:s30] =	ssyncset.done $0x0  }
.LBB2_6:
0x97: {  	p0 =	sne.s32 s13, $0x4C00  }
0x98: {  	[sflag:s30] =	ssyncadd.s32 $0xFFFFE000;
	s14 =	smov.u32 s13;
	s13 =	sadd.s32 $0x400, s13  }
0x99: {  	_ =	swait.ge [sflag:s26], $0x2000  }
0x9a: {  	s14 =	sshra.s32 s14, $0x2;
	[sflag:s26] =	ssyncset.done $0x0  }
0x9b: {  	s15 =	sadd.s32 $0x18080, s14;
	[sflag:s26] =	ssyncadd.s32 $0xFFFFE000  }
0x9c: {  	[tilespmem:s5], [sflag:$0x2] =	stream.indirect.gather [spmem:s2], $0x40, s15, s1, $0xb8;
	[tilespmem:$0x1AA00] =	vst v63  }
0x9d: {  	s15 =	sadd.s32 $0x19500, s14  }
0x9e: {  	[spmem:s3] =	stream.indirect.scatter.add.f32 [tilespmem:s31], [sflag:$0x4], $0x40, s15, s1, $0xb8;
	[tilespmem:$0x1AA00] =	vst v63  }
0x9f: {  	_ =	swait.ge [sflag:s30], $0x2000  }
0xa0: {  	[sflag:s30] =	ssyncset.done $0x0  }
0xa1: {  	s15 =	sadd.s32 $0x18100, s14;
	[sflag:s30] =	ssyncadd.s32 $0xFFFFE000  }
0xa2: {  	[tilespmem:s31], [sflag:$0x1] =	stream.indirect.gather [spmem:s2], $0x40, s15, s1, $0xb8;
	[tilespmem:$0x1AA00] =	vst v63  }
0xa3: {  	_ =	swait.ge [sflag:s6], $0x2000  }
.Ltmp2:
0xa4: {  	[sflag:s6] =	ssyncset.done $0x0;
	(pc) =	sbr.rel @p0 .LBB2_6-.Ltmp2, $4  }
0xa5: {  	s14 =	sadd.s32 $0x19580, s14;
	[sflag:s6] =	ssyncadd.s32 $0xFFFFE000  }
0xa6: {  	[spmem:s3] =	stream.indirect.scatter.add.f32 [tilespmem:s5], [sflag:$0x4], $0x40, s14, s1, $0xb8;
	[tilespmem:$0x1AA00] =	vst v63  }
0xa7: {  	_ =	swait.ge [sflag:s30], $0x2000  }
0xa8: {  	[sflag:s30] =	ssyncset.done $0x0  }
0xa9: {  	[sflag:s30] =	ssyncadd.s32 $0xFFFFE000  }
0xaa: {  	_ =	swait.ge [sflag:s26], $0x2000  }
0xab: {  	[sflag:s26] =	ssyncset.done $0x0  }
0xac: {  	[sflag:s26] =	ssyncadd.s32 $0xFFFFE000  }
0xad: {  	[tilespmem:s5], [sflag:$0x2] =	stream.indirect.gather [spmem:s2], $0x40, s7, s1, $0xb8;
	[tilespmem:$0x1AA00] =	vst v63  }
0xae: {  	_ = 	snop  }
0xaf: {  	[spmem:s3] =	stream.indirect.scatter.add.f32 [tilespmem:s31], [sflag:$0x4], $0x40, s10, s1, $0xb8;
	[tilespmem:$0x1AA00] =	vst v63  }
0xb0: {  	_ =	swait.ge [sflag:s30], $0x2000  }
0xb1: {  	[sflag:s30] =	ssyncset.done $0x0  }
0xb2: {  	[sflag:s30] =	ssyncadd.s32 $0xFFFFE000  }
0xb3: {  	_ =	swait.ge [sflag:s6], $0x2000  }
0xb4: {  	[sflag:s6] =	ssyncset.done $0x0  }
0xb5: {  	[sflag:s6] =	ssyncadd.s32 $0xFFFFE000  }
0xb6: {  	[spmem:s3] =	stream.indirect.scatter.add.f32 [tilespmem:s5], [sflag:$0x4], $0x40, s11, s1, $0xb8;
	[tilespmem:$0x1AA00] =	vst v63  }
0xb7: {  	_ =	swait.ge [sflag:s30], $0x2000  }
0xb8: {  	[sflag:s30] =	ssyncset.done $0x0  }
0xb9: {  	s13 =	simm.s32 $0x0;
	s14 =	rddreg [dreg:$0xa];
	[sflag:s30] =	ssyncadd.s32 $0xFFFFE000  }
0xba: {  	[tilespmem:s22], [sflag:$0x3] =	stream.linear.gather [hbm4b:s14+s13], $0x1500, $0x38;
	[tilespmem:$0x1AA00] =	vst v63  }
0xbb: {  	s15 =	rddreg [dreg:$0xb]  }
0xbc: {  	[tilespmem:s23], [sflag:$0x3] =	stream.linear.gather [hbm4b:s15+s13], $0x1500, $0x38;
	[tilespmem:$0x1AA00] =	vst v63  }
0xbd: {  	_ =	swait.ge [sflag:s0], $0x1500  }
0xbe: {  	[sflag:s0] =	ssyncset.done $0x0  }
0xbf: {  	[sflag:s0] =	ssyncadd.s32 $0xFFFFEB00  }
0xc0: {  	_ =	swait.ge [sflag:s0], $0x1500  }
0xc1: {  	[sflag:s0] =	ssyncset.done $0x0  }
0xc2: {  	[sflag:s0] =	ssyncadd.s32 $0xFFFFEB00  }
0xc3: {  	[tilespmem:s31], [sflag:$0x1] =	stream.indirect.gather [spmem:s2], $0x40, s22, s1, $0xb8;
	[tilespmem:$0x1AA00] =	vst v63  }
0xc4: {  	_ =	swait.ge [sflag:s26], $0x2000  }
0xc5: {  	[sflag:s26] =	ssyncset.done $0x0  }
0xc6: {  	s16 =	simm.s32 $0x18080;
	[sflag:s26] =	ssyncadd.s32 $0xFFFFE000  }
0xc7: {  	[tilespmem:s5], [sflag:$0x2] =	stream.indirect.gather [spmem:s2], $0x40, s16, s1, $0xb8;
	[tilespmem:$0x1AA00] =	vst v63  }
0xc8: {  	s14 =	simm.s32 $0x19500  }
0xc9: {  	[spmem:s3] =	stream.indirect.scatter.add.f32 [tilespmem:s31], [sflag:$0x4], $0x40, s14, s1, $0xb8;
	[tilespmem:$0x1AA00] =	vst v63  }
0xca: {  	_ =	swait.ge [sflag:s30], $0x2000  }
0xcb: {  	[sflag:s30] =	ssyncset.done $0x0  }
0xcc: {  	s15 =	simm.s32 $0x18100;
	[sflag:s30] =	ssyncadd.s32 $0xFFFFE000  }
0xcd: {  	[tilespmem:s31], [sflag:$0x1] =	stream.indirect.gather [spmem:s2], $0x40, s15, s1, $0xb8;
	[tilespmem:$0x1AA00] =	vst v63  }
0xce: {  	_ =	swait.ge [sflag:s6], $0x2000  }
0xcf: {  	[sflag:s6] =	ssyncset.done $0x0  }
0xd0: {  	s16 =	simm.s32 $0x19580;
	[sflag:s6] =	ssyncadd.s32 $0xFFFFE000  }
0xd1: {  	[spmem:s3] =	stream.indirect.scatter.add.f32 [tilespmem:s5], [sflag:$0x4], $0x40, s16, s1, $0xb8;
	[tilespmem:$0x1AA00] =	vst v63  }
0xd2: {  	_ =	swait.ge [sflag:s30], $0x2000  }
0xd3: {  	s13 =	simm.s32 $0x400;
	[sflag:s30] =	ssyncset.done $0x0  }
.LBB2_8:
0xd4: {  	p0 =	sne.s32 s13, $0x4C00  }
0xd5: {  	[sflag:s30] =	ssyncadd.s32 $0xFFFFE000;
	s14 =	smov.u32 s13;
	s13 =	sadd.s32 $0x400, s13  }
0xd6: {  	_ =	swait.ge [sflag:s26], $0x2000  }
0xd7: {  	s14 =	sshra.s32 s14, $0x2;
	[sflag:s26] =	ssyncset.done $0x0  }
0xd8: {  	s15 =	sadd.s32 $0x18080, s14;
	[sflag:s26] =	ssyncadd.s32 $0xFFFFE000  }
0xd9: {  	[tilespmem:s5], [sflag:$0x2] =	stream.indirect.gather [spmem:s2], $0x40, s15, s1, $0xb8;
	[tilespmem:$0x1AA00] =	vst v63  }
0xda: {  	s15 =	sadd.s32 $0x19500, s14  }
0xdb: {  	[spmem:s3] =	stream.indirect.scatter.add.f32 [tilespmem:s31], [sflag:$0x4], $0x40, s15, s1, $0xb8;
	[tilespmem:$0x1AA00] =	vst v63  }
0xdc: {  	_ =	swait.ge [sflag:s30], $0x2000  }
0xdd: {  	[sflag:s30] =	ssyncset.done $0x0  }
0xde: {  	s15 =	sadd.s32 $0x18100, s14;
	[sflag:s30] =	ssyncadd.s32 $0xFFFFE000  }
0xdf: {  	[tilespmem:s31], [sflag:$0x1] =	stream.indirect.gather [spmem:s2], $0x40, s15, s1, $0xb8;
	[tilespmem:$0x1AA00] =	vst v63  }
0xe0: {  	_ =	swait.ge [sflag:s6], $0x2000  }
.Ltmp3:
0xe1: {  	[sflag:s6] =	ssyncset.done $0x0;
	(pc) =	sbr.rel @p0 .LBB2_8-.Ltmp3, $4  }
0xe2: {  	s14 =	sadd.s32 $0x19580, s14;
	[sflag:s6] =	ssyncadd.s32 $0xFFFFE000  }
0xe3: {  	[spmem:s3] =	stream.indirect.scatter.add.f32 [tilespmem:s5], [sflag:$0x4], $0x40, s14, s1, $0xb8;
	[tilespmem:$0x1AA00] =	vst v63  }
0xe4: {  	_ =	swait.ge [sflag:s30], $0x2000  }
0xe5: {  	[sflag:s30] =	ssyncset.done $0x0  }
0xe6: {  	[sflag:s30] =	ssyncadd.s32 $0xFFFFE000  }
0xe7: {  	_ =	swait.ge [sflag:s26], $0x2000  }
0xe8: {  	[sflag:s26] =	ssyncset.done $0x0  }
0xe9: {  	[sflag:s26] =	ssyncadd.s32 $0xFFFFE000  }
0xea: {  	[tilespmem:s5], [sflag:$0x2] =	stream.indirect.gather [spmem:s2], $0x40, s7, s1, $0xb8;
	[tilespmem:$0x1AA00] =	vst v63  }
0xeb: {  	_ = 	snop  }
0xec: {  	[spmem:s3] =	stream.indirect.scatter.add.f32 [tilespmem:s31], [sflag:$0x4], $0x40, s10, s1, $0xb8;
	[tilespmem:$0x1AA00] =	vst v63  }
0xed: {  	_ =	swait.ge [sflag:s30], $0x2000  }
0xee: {  	[sflag:s30] =	ssyncset.done $0x0  }
0xef: {  	[sflag:s30] =	ssyncadd.s32 $0xFFFFE000  }
0xf0: {  	_ =	swait.ge [sflag:s6], $0x2000  }
0xf1: {  	[sflag:s6] =	ssyncset.done $0x0  }
0xf2: {  	[sflag:s6] =	ssyncadd.s32 $0xFFFFE000  }
0xf3: {  	[spmem:s3] =	stream.indirect.scatter.add.f32 [tilespmem:s5], [sflag:$0x4], $0x40, s11, s1, $0xb8;
	[tilespmem:$0x1AA00] =	vst v63  }
0xf4: {  	_ =	swait.ge [sflag:s30], $0x2000  }
0xf5: {  	[sflag:s30] =	ssyncset.done $0x0  }
0xf6: {  	s13 =	simm.s32 $0x0;
	s14 =	rddreg [dreg:$0xc];
	[sflag:s30] =	ssyncadd.s32 $0xFFFFE000  }
0xf7: {  	[tilespmem:s22], [sflag:$0x3] =	stream.linear.gather [hbm4b:s14+s13], $0x1500, $0x38;
	[tilespmem:$0x1AA00] =	vst v63  }
0xf8: {  	s15 =	rddreg [dreg:$0xd]  }
0xf9: {  	[tilespmem:s23], [sflag:$0x3] =	stream.linear.gather [hbm4b:s15+s13], $0x1500, $0x38;
	[tilespmem:$0x1AA00] =	vst v63  }
0xfa: {  	_ =	swait.ge [sflag:s0], $0x1500  }
0xfb: {  	[sflag:s0] =	ssyncset.done $0x0  }
0xfc: {  	[sflag:s0] =	ssyncadd.s32 $0xFFFFEB00  }
0xfd: {  	_ =	swait.ge [sflag:s0], $0x1500  }
0xfe: {  	[sflag:s0] =	ssyncset.done $0x0  }
0xff: {  	[sflag:s0] =	ssyncadd.s32 $0xFFFFEB00  }
0x100: {  	[tilespmem:s31], [sflag:$0x1] =	stream.indirect.gather [spmem:s2], $0x40, s22, s1, $0xb8;
	[tilespmem:$0x1AA00] =	vst v63  }
0x101: {  	_ =	swait.ge [sflag:s26], $0x2000  }
0x102: {  	[sflag:s26] =	ssyncset.done $0x0  }
0x103: {  	s16 =	simm.s32 $0x18080;
	[sflag:s26] =	ssyncadd.s32 $0xFFFFE000  }
0x104: {  	[tilespmem:s5], [sflag:$0x2] =	stream.indirect.gather [spmem:s2], $0x40, s16, s1, $0xb8;
	[tilespmem:$0x1AA00] =	vst v63  }
0x105: {  	s14 =	simm.s32 $0x19500  }
0x106: {  	[spmem:s3] =	stream.indirect.scatter.add.f32 [tilespmem:s31], [sflag:$0x4], $0x40, s14, s1, $0xb8;
	[tilespmem:$0x1AA00] =	vst v63  }
0x107: {  	_ =	swait.ge [sflag:s30], $0x2000  }
0x108: {  	[sflag:s30] =	ssyncset.done $0x0  }
0x109: {  	s15 =	simm.s32 $0x18100;
	[sflag:s30] =	ssyncadd.s32 $0xFFFFE000  }
0x10a: {  	[tilespmem:s31], [sflag:$0x1] =	stream.indirect.gather [spmem:s2], $0x40, s15, s1, $0xb8;
	[tilespmem:$0x1AA00] =	vst v63  }
0x10b: {  	_ =	swait.ge [sflag:s6], $0x2000  }
0x10c: {  	[sflag:s6] =	ssyncset.done $0x0  }
0x10d: {  	s16 =	simm.s32 $0x19580;
	[sflag:s6] =	ssyncadd.s32 $0xFFFFE000  }
0x10e: {  	[spmem:s3] =	stream.indirect.scatter.add.f32 [tilespmem:s5], [sflag:$0x4], $0x40, s16, s1, $0xb8;
	[tilespmem:$0x1AA00] =	vst v63  }
0x10f: {  	_ =	swait.ge [sflag:s30], $0x2000  }
0x110: {  	s13 =	simm.s32 $0x400;
	[sflag:s30] =	ssyncset.done $0x0  }
.LBB2_10:
0x111: {  	p0 =	sne.s32 s13, $0x4C00  }
0x112: {  	[sflag:s30] =	ssyncadd.s32 $0xFFFFE000;
	s14 =	smov.u32 s13;
	s13 =	sadd.s32 $0x400, s13  }
0x113: {  	_ =	swait.ge [sflag:s26], $0x2000  }
0x114: {  	s14 =	sshra.s32 s14, $0x2;
	[sflag:s26] =	ssyncset.done $0x0  }
0x115: {  	s15 =	sadd.s32 $0x18080, s14;
	[sflag:s26] =	ssyncadd.s32 $0xFFFFE000  }
0x116: {  	[tilespmem:s5], [sflag:$0x2] =	stream.indirect.gather [spmem:s2], $0x40, s15, s1, $0xb8;
	[tilespmem:$0x1AA00] =	vst v63  }
0x117: {  	s15 =	sadd.s32 $0x19500, s14  }
0x118: {  	[spmem:s3] =	stream.indirect.scatter.add.f32 [tilespmem:s31], [sflag:$0x4], $0x40, s15, s1, $0xb8;
	[tilespmem:$0x1AA00] =	vst v63  }
0x119: {  	_ =	swait.ge [sflag:s30], $0x2000  }
0x11a: {  	[sflag:s30] =	ssyncset.done $0x0  }
0x11b: {  	s15 =	sadd.s32 $0x18100, s14;
	[sflag:s30] =	ssyncadd.s32 $0xFFFFE000  }
0x11c: {  	[tilespmem:s31], [sflag:$0x1] =	stream.indirect.gather [spmem:s2], $0x40, s15, s1, $0xb8;
	[tilespmem:$0x1AA00] =	vst v63  }
0x11d: {  	_ =	swait.ge [sflag:s6], $0x2000  }
.Ltmp4:
0x11e: {  	[sflag:s6] =	ssyncset.done $0x0;
	(pc) =	sbr.rel @p0 .LBB2_10-.Ltmp4, $4  }
0x11f: {  	s14 =	sadd.s32 $0x19580, s14;
	[sflag:s6] =	ssyncadd.s32 $0xFFFFE000  }
0x120: {  	[spmem:s3] =	stream.indirect.scatter.add.f32 [tilespmem:s5], [sflag:$0x4], $0x40, s14, s1, $0xb8;
	[tilespmem:$0x1AA00] =	vst v63  }
0x121: {  	_ =	swait.ge [sflag:s30], $0x2000  }
0x122: {  	[sflag:s30] =	ssyncset.done $0x0  }
0x123: {  	[sflag:s30] =	ssyncadd.s32 $0xFFFFE000  }
0x124: {  	_ =	swait.ge [sflag:s26], $0x2000  }
0x125: {  	[sflag:s26] =	ssyncset.done $0x0  }
0x126: {  	[sflag:s26] =	ssyncadd.s32 $0xFFFFE000  }
0x127: {  	[tilespmem:s5], [sflag:$0x2] =	stream.indirect.gather [spmem:s2], $0x40, s7, s1, $0xb8;
	[tilespmem:$0x1AA00] =	vst v63  }
0x128: {  	_ = 	snop  }
0x129: {  	[spmem:s3] =	stream.indirect.scatter.add.f32 [tilespmem:s31], [sflag:$0x4], $0x40, s10, s1, $0xb8;
	[tilespmem:$0x1AA00] =	vst v63  }
0x12a: {  	_ =	swait.ge [sflag:s30], $0x2000  }
0x12b: {  	[sflag:s30] =	ssyncset.done $0x0  }
0x12c: {  	[sflag:s30] =	ssyncadd.s32 $0xFFFFE000  }
0x12d: {  	_ =	swait.ge [sflag:s6], $0x2000  }
0x12e: {  	[sflag:s6] =	ssyncset.done $0x0  }
0x12f: {  	[sflag:s6] =	ssyncadd.s32 $0xFFFFE000  }
0x130: {  	[spmem:s3] =	stream.indirect.scatter.add.f32 [tilespmem:s5], [sflag:$0x4], $0x40, s11, s1, $0xb8;
	[tilespmem:$0x1AA00] =	vst v63  }
0x131: {  	_ =	swait.ge [sflag:s30], $0x2000  }
0x132: {  	[sflag:s30] =	ssyncset.done $0x0  }
0x133: {  	s12 =	sadd.s32 $0x1, s12;
	[sflag:s30] =	ssyncadd.s32 $0xFFFFE000  }
0x134: {  	p0 =	sne.s32 s12, s17;
	[bflag:$0x0] =	sbarrier.arrive $0xFFFF  }
.Ltmp5:
0x135: {  	s13 =	rddreg [dreg:$0xe];
	(pc) =	sbr.rel @p0 .LBB2_1-.Ltmp5, $4  }
0x136: {  	[hbm:s13@s29], [sflag:s8] =	dma.strided [spmem:s25@s28], $0x1400, s26, $0x8   }
0x137: {  	_ =	swait.ge [sflag:s30], $0x1400  }
0x138: {  	[sflag:s30] =	ssyncset.done $0x0  }
0x139: {  	[sflag:s30] =	ssyncadd.s32 $0xFFFFEC00  }
0x13a: {  	_ =	sfence.sel $0x180000  }
0x13b: {  	[bflag:$0x0] =	sbarrier.arrive $0xFFFF  }
0x13c: {  	_ =	strace $0x9000004A  }
0x13d: {  	s0 =	stileid.u32;
	[bflag:$0x2] =	sbarrier.arrive $0xFFFF  }
0x13e: {  	p0 =	sne.s32 s0, $0x0;
	s0 =	rddreg [dreg:$0x4]  }
0x13f: {  	s0 =	sadd.s32 @!p0 $0x100000, s0  }
0x140: {  	[sflag:s0] =	ssyncadd.tile.s32 @!p0 $0x1;
	_ =	shalt  }
.Lfunc_end2:
_tile_overlayer_lowered:
.L_overlay_start_2:
0x141: {  	(tag) =	ssettag $0x2  }
0x142: {  	s0 =	rddreg [dreg:$0x0];
	s2 =	stileid.u32  }
0x143: {  	s1 =	rddreg [dreg:$0x1];
	p0 =	sne.s32 s2, $0x0  }
0x144: {  	s3 =	rddreg [dreg:$0x2];
	[bflag:$0x3] =	sbarrier.arrive $0xFFFF;
	s2 =	simm.s32 @!p0 $0x1C04  }
0x145: {  	[timem:s3], [sflag:s2] =	dma.local @!p0 [hbm:s0], s1  }
0x146: {  	s0 =	simm.s32 @!p0 $0x4  }
0x147: {  	_ =	swait.ge @!p0 [sflag:s0], s1  }
0x148: {  	s1 =	ssub.s32 @!p0 $0x0, s1;
	[sflag:s0] =	ssyncset.done @!p0 $0x0  }
0x149: {  	[sflag:s0] =	ssyncadd.s32 @!p0 s1  }
0x14a: {  	[bflag:$0x3] =	sbarrier.arrive $0xFFFF  }
0x14b: {  	_ =	shalt  }

// kernel: kernel.7.cloned.1.call-start
scs
__scs_entry_jumppad:
0x0: {  	(pc) =	sbr.rel $0x88, $3  }
0x1: {  	(tag) =	ssettag $0x0;
	lr =	simm.s32 $0x1  }
0x2: {  	[smem:$0x3F9D] =	sst lr;
	_ =	strace $0xD0000000  }
0x3: {  	_ = 	snop  }
0x4: {  	_ = 	snop  }
0x5: {  	_ = 	snop  }
0x6: {  	_ = 	snop  }
0x7: {  	_ = 	snop  }
__scs_overlays_trampoline_lowered:
0x8: {  	[smem:$0x3FAC] =	sst s0  }
0x9: {  	[smem:$0x3FAD] =	sst s1  }
0xa: {  	[smem:$0x3FAE] =	sst s2  }
0xb: {  	[smem:$0x3FAF] =	sst s3  }
0xc: {  	[smem:$0x3FB0] =	sst s4  }
0xd: {  	[smem:$0x3FB1] =	sst s5  }
0xe: {  	[smem:$0x3FB2] =	sst s6  }
0xf: {  	[smem:$0x3FB3] =	sst s7  }
0x10: {  	[smem:$0x3FB4] =	sst s8  }
0x11: {  	[smem:$0x3FB5] =	sst s9;
	s0 =	simm.s32 @!p0 $0x0  }
0x12: {  	s1 =	sld [smem:$0x3F9B];
	s0 =	simm.s32 @p0 $0x1  }
0x13: {  	[smem:$0x3FB6] =	sst s0;
	s0 =	simm.s32 @!p1 $0x0  }
0x14: {  	s2 =	sld [smem:$0x3F9A];
	s0 =	simm.s32 @p1 $0x1  }
0x15: {  	[smem:$0x3FB7] =	sst s0;
	s0 =	simm.s32 @!p2 $0x0  }
0x16: {  	s3 =	sld [smem:$0x3FDB];
	s0 =	simm.s32 @p2 $0x1  }
0x17: {  	s4 =	simm.s32 $0x1BF5;
	[smem:$0x3FB9] =	sst s0  }
0x18: {  	s0 =	sld [smem:$0x3F9C];
	_ =	swait.ge [sflag:s4], $0x0  }
0x19: {  	s7 =	sld [smem:$0x3F9D]  }
0x1a: {  	s8 =	sadd.s32 $0xFFFFE003, lr  }
0x1b: {  	s9 =	sadd.s32 $0xFFFFFEF7, lr;
	s5 =	simm.s32 $0xFFFFFFFF;
	p2 =	slt.u32 s8, $0xFFFFF086  }
0x1c: {  	p1 =	slt.u32 s9, $0xF7A;
	s5 =	simm.s32 @!p2 $0x0  }
0x1d: {  	s5 =	simm.s32 @p1 $0x1;
	p0 =	seq.s32 s7, s2  }
0x1e: {  	s7 =	smul.u32 @!p0 $0xF7A, s2;
	p2 =	seq.s32 @!p0 s5, $0x0  }
0x1f: {  	s9 =	smul.u32 $0xF7A, s1;
	s8 =	simm.s32 @!p0 $0x1BF5;
	p2 =	por !p2, p0  }
0x20: {  	[sflag:s8] =	ssyncset.s32 @!p0 $0xFFFFF086;
	s6 =	sadd.s32 @!p0 s3, s7;
	s7 =	simm.s32 @!p0 $0x108  }
0x21: {  	s3 =	sadd.s32 s3, s9;
	s6 =	sadd.s32 @!p0 $0x88, s6;
	s7 =	simm.s32 @p2 $0x1082  }
0x22: {  	[simem:s7], [sflag:s8] =	dma.local @!p0 [hbm:s6], $0xF7A  }
0x23: {  	s9 =	sor.u32 $0xD0000000, s2;
	s6 =	simm.s32 $0x108;
	_ =	swait.ge @!p0 [sflag:s8], $0x0  }
0x24: {  	s3 =	sadd.s32 $0x88, s3;
	s6 =	simm.s32 @!p1 $0x1082;
	[sflag:s4] =	ssyncset.s32 $0xFFFFF086  }
0x25: {  	[simem:s6], [sflag:s4] =	dma.local [hbm:s3], $0xF7A  }
0x26: {  	[smem:$0x3F9D] =	sst s1;
	(tag) =	ssettag s2;
	_ =	strace s9  }
0x27: {  	s1 =	sld [smem:$0x3FAD]  }
0x28: {  	s2 =	sld [smem:$0x3FAE]  }
0x29: {  	s4 =	sld [smem:$0x3FB0]  }
0x2a: {  	p0 =	seq.s32 s5, $0x0;
	s5 =	sld [smem:$0x3FB1]  }
0x2b: {  	s6 =	sld [smem:$0x3FB2]  }
0x2c: {  	s7 =	sld [smem:$0x3FB3]  }
0x2d: {  	s3 =	simm.s32 $0x108;
	s8 =	sld [smem:$0x3FB4]  }
0x2e: {  	s3 =	simm.s32 @!p0 $0x1082;
	s9 =	sld [smem:$0x3FB5]  }
0x2f: {  	lr =	sadd.s32 s0, s3;
	s0 =	sld [smem:$0x3FAC]  }
0x30: {  	s3 =	sld [smem:$0x3FAF]  }
0x31: {  	[smem:$0x3FB8] =	sst s10  }
0x32: {  	s10 =	sld [smem:$0x3FB6];
	_ =	sdelay $0x3  }
0x33: {  	p0 =	seq.s32 s10, $0x1;
	s10 =	sld [smem:$0x3FB8];
	_ =	sdelay $0x3  }
0x34: {  	[smem:$0x3FB8] =	sst s10  }
0x35: {  	s10 =	sld [smem:$0x3FB7];
	_ =	sdelay $0x3  }
0x36: {  	p1 =	seq.s32 s10, $0x1;
	s10 =	sld [smem:$0x3FB8];
	_ =	sdelay $0x3  }
0x37: {  	[smem:$0x3FB8] =	sst s10  }
0x38: {  	s10 =	sld [smem:$0x3FB9]  }
0x39: {  	_ = 	snop;
	(pc) =	sbr.ind lr, $3  }
0x3a: {  	_ = 	snop  }
0x3b: {  	_ = 	snop  }
0x3c: {  	p2 =	seq.s32 s10, $0x1;
	s10 =	sld [smem:$0x3FB8]  }
0x3d: {  	_ =	shalt  }
0x3e: {  	_ =	shalt  }
0x3f: {  	_ =	shalt  }
0x40: {  	_ =	shalt  }
0x41: {  	_ =	shalt  }
0x42: {  	_ =	shalt  }
0x43: {  	_ =	shalt  }
0x44: {  	_ =	shalt  }
0x45: {  	_ =	shalt  }
0x46: {  	_ =	shalt  }
0x47: {  	_ =	shalt  }
0x48: {  	_ =	shalt  }
0x49: {  	_ =	shalt  }
0x4a: {  	_ =	shalt  }
0x4b: {  	_ =	shalt  }
0x4c: {  	_ =	shalt  }
0x4d: {  	_ =	shalt  }
0x4e: {  	_ =	shalt  }
0x4f: {  	_ =	shalt  }
0x50: {  	_ =	shalt  }
0x51: {  	_ =	shalt  }
0x52: {  	_ =	shalt  }
0x53: {  	_ =	shalt  }
0x54: {  	_ =	shalt  }
0x55: {  	_ =	shalt  }
0x56: {  	_ =	shalt  }
0x57: {  	_ =	shalt  }
0x58: {  	_ =	shalt  }
0x59: {  	_ =	shalt  }
0x5a: {  	_ =	shalt  }
0x5b: {  	_ =	shalt  }
0x5c: {  	_ =	shalt  }
0x5d: {  	_ =	shalt  }
0x5e: {  	_ =	shalt  }
0x5f: {  	_ =	shalt  }
0x60: {  	_ =	shalt  }
0x61: {  	_ =	shalt  }
0x62: {  	_ =	shalt  }
0x63: {  	_ =	shalt  }
0x64: {  	_ =	shalt  }
0x65: {  	_ =	shalt  }
0x66: {  	_ =	shalt  }
0x67: {  	_ =	shalt  }
0x68: {  	_ =	shalt  }
0x69: {  	_ =	shalt  }
0x6a: {  	_ =	shalt  }
0x6b: {  	_ =	shalt  }
0x6c: {  	_ =	shalt  }
0x6d: {  	_ =	shalt  }
0x6e: {  	_ =	shalt  }
0x6f: {  	_ =	shalt  }
0x70: {  	_ =	shalt  }
0x71: {  	_ =	shalt  }
0x72: {  	_ =	shalt  }
0x73: {  	_ =	shalt  }
0x74: {  	_ =	shalt  }
0x75: {  	_ =	shalt  }
0x76: {  	_ =	shalt  }
0x77: {  	_ =	shalt  }
0x78: {  	_ =	shalt  }
0x79: {  	_ =	shalt  }
0x7a: {  	_ =	shalt  }
0x7b: {  	_ =	shalt  }
0x7c: {  	_ =	shalt  }
0x7d: {  	_ =	shalt  }
0x7e: {  	_ =	shalt  }
0x7f: {  	_ =	shalt  }
0x80: {  	_ =	shalt  }
0x81: {  	_ =	shalt  }
0x82: {  	_ =	shalt  }
0x83: {  	_ =	shalt  }
0x84: {  	_ =	shalt  }
0x85: {  	_ =	shalt  }
0x86: {  	_ =	shalt  }
0x87: {  	_ =	shalt  }
.Lfunc_end0:
.L_simem_size_0:
called_computation_lowered:
.L_overlay_start_0:
0x88: {  	s2 =	sld [smem:$0x3FD9]  }
0x89: {  	s3 =	sld [smem:$0x3FFE];
	_ =	sdelay $0x1  }
0x8a: {  	s1 =	srdreg.scid  }
0x8b: {  	s0 =	sand.u32 $0x1, s1  }
0x8c: {  	s17 =	sshll.u32 s0, $0xA;
	s2 =	sadd.s32 s3, s2  }
0x8d: {  	s2 =	sadd.s32 s2, s17  }
0x8e: {  	[smem:$0x3FC4] =	sst s2  }
0x8f: {  	_ = 	snop  }
0x90: {  	s2 =	sld [smem:$0x3FD0];
	(tm) =	ssettm $0x1  }
0x91: {  	s18 =	sld [smem:$0x3FFB];
	_ =	sdelay $0x3  }
0x92: {  	_ =	strace s18  }
0x93: {  	s3 =	sld [smem:$0x3FFC];
	_ =	sdelay $0x3  }
0x94: {  	_ =	strace s3  }
0x95: {  	s3 =	sld [smem:$0x3FFD];
	_ =	sdelay $0x3  }
0x96: {  	_ =	strace s3  }
0x97: {  	_ =	strace $0x8FFFFFFF  }
0x98: {  	s19 =	sld [smem:$0x3FDB];
	_ =	sdelay $0x1  }
0x99: {  	s4 =	simm.s32 $_scs_section_size  }
0x9a: {  	s5 =	simm.s32 $_size__tile_overlayer_lowered;
	s6 =	simm.s32 $_tile_overlayer_lowered  }
0x9b: {  	s22 =	simm.s32 $0x1BFF;
	s21 =	sshll.u32 s6, $0x1;
	s3 =	sadd.s32 s4, s19  }
0x9c: {  	s7 =	simm.s32 $0x0;
	s20 =	sshll.u32 s5, $0x1;
	s5 =	sadd.s32 s21, s3  }
0x9d: {  	[timem:s7], [sflag:s22] =	dma.local [hbm:s5], s20  }
0x9e: {  	_ =	swait.ge [sflag:s22], s20  }
0x9f: {  	s4 =	ssub.s32 $0x0, s20;
	[sflag:s22] =	ssyncset.done $0x0  }
0xa0: {  	[sflag:s22] =	ssyncadd.s32 s4;
	_ =	sdelay $0x1  }
0xa1: {  	s23 =	simm.s32 $0x1B8B  }
0xa2: {  	_ =	swait.ge [sflag:s23], $0x1  }
0xa3: {  	[sflag:s23] =	ssyncset.done $0x0  }
0xa4: {  	s25 =	simm.s32 $0x1B8E;
	s24 =	sld [smem:$0x3FFE];
	[sflag:s23] =	ssyncadd.s32 $0xFFFFFFFF  }
0xa5: {  	s26 =	simm.s32 $execute0_lowered;
	[smem:$0x3FD2] =	sst s25  }
0xa6: {  	s5 =	sshll.u32 s26, $0x1;
	_ =	strace $0x80000046;
	[dreg:$0x1] =	wrdreg $0xFFFFFFFF  }
0xa7: {  	s28 =	simm.s32 $_size_execute0_lowered;
	s3 =	sadd.s32 s3, s5;
	[dreg:$0x0] =	wrdreg $0x0  }
0xa8: {  	s5 =	sshll.u32 s28, $0x1;
	[dreg:$0x2] =	wrdreg s3  }
0xa9: {  	[dreg:$0x3] =	wrdreg s5  }
0xaa: {  	[dreg:$0x4] =	wrdreg $0xC0  }
0xab: {  	_ =	task [dreg:s7], $0x5FFFF  }
0xac: {  	[dreg:$0x1] =	wrdreg $0xFFFFFFFF  }
0xad: {  	[dreg:$0x0] =	wrdreg $0x60  }
0xae: {  	[dreg:$0x2] =	wrdreg s2  }
0xaf: {  	[dreg:$0x3] =	wrdreg s24  }
0xb0: {  	[dreg:$0x4] =	wrdreg $0x0  }
0xb1: {  	[dreg:$0x5] =	wrdreg $0x9  }
0xb2: {  	_ =	task.clear_ibuf [dreg:s7], $0x6FFFF;
	_ =	strace $0x90000046  }
0xb3: {  	s29 =	simm.s32 $0x9;
	_ =	strace $0x80000048  }
0xb4: {  	_ =	swait.ge [sflag:s29], $0x1  }
0xb5: {  	[sflag:s29] =	ssyncadd.s32 $0xFFFFFFFF  }
0xb6: {  	_ =	strace $0x90000048  }
0xb7: {  	_ =	sfence  }
0xb8: {  	s30 =	sld [smem:$0x0];
	_ =	sdelay $0x2  }
0xb9: {  	s31 =	sshll.u32 s1, $0xD;
	s1 =	sshrl.u32 s1, $0x2  }
0xba: {  	s3 =	sand.u32 $0x4000, s31;
	s1 =	sadd.s32 s1, s30  }
0xbb: {  	s0 =	sor.u32 s3, s0;
	s1 =	sshll.u32 s1, $0x11  }
0xbc: {  	s0 =	sor.u32 s1, s0  }
0xbd: {  	s0 =	sadd.s32 $0x8F2B, s0  }
0xbe: {  	[sflag:s0] =	ssyncadd.remote.s32 $0x1  }
0xbf: {  	_ =	sfence.sel $0xFFFF  }
0xc0: {  	[dreg:$0x0] =	wrdreg $0xFFFFFFFF;
	(pc) =	sbr.abs _section_cstart, $3  }
0xc1: {  	[dreg:$0x1] =	wrdreg $0xFFFFFFFF  }
0xc2: {  	_ =	task.clear_ibuf [dreg:s7], $0x2FFFF;
	_ =	strace $0x9FFFFFFF  }
0xc3: {  	(tm) =	ssettm $0x7FFFFFFF  }
tec
execute0_lowered:
.L_overlay_start_1:
0x0: {  	(tag) =	ssettag $0x1  }
0x1: {  	s4 =	rddreg [dreg:$0x0]  }
0x2: {  	s5 =	rddreg [dreg:$0x1]  }
0x3: {  	s1 =	rddreg [dreg:$0x2];
	s2 =	srdreg.scid  }
0x4: {  	s0 =	rddreg [dreg:$0x3];
	s3 =	simm.s32 $0x0;
	s12 =	simm.s32 $0x3800  }
0x5: {  	s13 =	simm.s32 $0x3000;
	s14 =	simm.s32 $0x3;
	s15 =	simm.s32 $0x1  }
0x6: {  	s16 =	simm.s32 $0x80;
	s17 =	simm.s32 $0x2800;
	s6 =	sand.u32 $0x1, s2  }
0x7: {  	s18 =	simm.s32 $0x2;
	s2 =	stileid.u32;
	s7 =	smul.u32 $0x28000, s6  }
0x8: {  	s21 =	simm.s32 $0x0;
	[smem:$0x7FF] =	sst s3;
	s8 =	smul.u32 $0x2800, s2  }
0x9: {  	_ =	strace $0x80000047;
	s9 =	sshll.u32 s6, $0x4;
	s10 =	smul.u32 $0xA000, s2  }
0xa: {  	s6 =	ssub.s32 $0x2, s6;
	s19 =	sshll.u32 s2, $0x6;
	s9 =	sor.u32 s2, s9  }
0xb: {  	s31 =	sshrl.u32 s6, $0x1;
	s19 =	sor.u32 $0x1C03, s19;
	s7 =	sadd.s32 s8, s7  }
0xc: {  	s9 =	smul.u32 $0x540, s9;
	s10 =	sshrl.u32 s10, $0x2;
	s20 =	sadd.s32 s8, s1  }
0xd: {  	s11 =	ssub.s32 s6, s31;
	s7 =	sshrl.u32 s7, $0x3;
	s20 =	sshrl.u32 s20, $0x3  }
0xe: {  	s7 =	sadd.s32 s7, s5;
	s4 =	sadd.s32 s4, s9;
	s5 =	sadd.s32 s10, s1  }
0xf: {  	s6 =	sadd.s32 $0x1800, s7;
	s7 =	smax.u32 s11, $0x1;
	s8 =	sadd.s32 $0x800, s5  }
0x10: {  	v0 =	vimm.f32 $1.000000000e+00;
	v1 =	vimm.f32 $0.0e+00;
	s9 =	sadd.s32 $0x1000, s5;
	s10 =	sadd.s32 $0x1800, s5;
	s11 =	sadd.s32 $0x2000, s5  }
.LBB2_1:
0x11: {  	[tilespmem:s12], [sflag:$0x1] =	stream.linear.gather [hbm4b:s4+s3], $0x2A00, $0x38;
	[tilespmem:$0x6200] =	vst v63  }
0x12: {  	s22 =	simm.s32 $0x40;
	s23 =	simm.s32 $0x0  }
.LBB2_2:
0x13: {  	p0 =	sne.s32 s22, $0x1FC0;
	[tilespmem:s23+$0x2800] =	vst v0;
	s24 =	smov.u32 s22;
	s22 =	sadd.s32 $0x40, s22  }
.Ltmp0:
0x14: {  	[tilespmem:s23+$0x3000] =	vst v1;
	(pc) =	sbr.rel @p0 .LBB2_2-.Ltmp0, $2  }
0x15: {  	_ =	sdelay $0x2  }
0x16: {  	s23 =	sshra.s32 s24, $0x2  }
0x17: {  	[tilespmem:s23+$0x2800] =	vst v0  }
0x18: {  	[tilespmem:s23+$0x3000] =	vst v1  }
0x19: {  	[spmem:s5] =	stream.linear.scatter [tilespmem:s13], [sflag:$0x3], $0x800, $0x38;
	[tilespmem:$0x6200] =	vst v63  }
0x1a: {  	_ =	swait.ge [sflag:s14], $0x800  }
0x1b: {  	[sflag:s14] =	ssyncset.done $0x0  }
0x1c: {  	[sflag:s14] =	ssyncadd.s32 $0xFFFFF800  }
0x1d: {  	[spmem:s8] =	stream.linear.scatter [tilespmem:s13], [sflag:$0x3], $0x800, $0x38;
	[tilespmem:$0x6200] =	vst v63  }
0x1e: {  	_ =	swait.ge [sflag:s14], $0x800  }
0x1f: {  	[sflag:s14] =	ssyncset.done $0x0  }
0x20: {  	[sflag:s14] =	ssyncadd.s32 $0xFFFFF800  }
0x21: {  	[spmem:s9] =	stream.linear.scatter [tilespmem:s13], [sflag:$0x3], $0x800, $0x38;
	[tilespmem:$0x6200] =	vst v63  }
0x22: {  	_ =	swait.ge [sflag:s14], $0x800  }
0x23: {  	[sflag:s14] =	ssyncset.done $0x0  }
0x24: {  	[sflag:s14] =	ssyncadd.s32 $0xFFFFF800  }
0x25: {  	[spmem:s10] =	stream.linear.scatter [tilespmem:s13], [sflag:$0x3], $0x800, $0x38;
	[tilespmem:$0x6200] =	vst v63  }
0x26: {  	_ =	swait.ge [sflag:s14], $0x800  }
0x27: {  	[sflag:s14] =	ssyncset.done $0x0  }
0x28: {  	[sflag:s14] =	ssyncadd.s32 $0xFFFFF800  }
0x29: {  	[spmem:s11] =	stream.linear.scatter [tilespmem:s13], [sflag:$0x3], $0x800, $0x38;
	[tilespmem:$0x6200] =	vst v63  }
0x2a: {  	_ =	swait.ge [sflag:s14], $0x800  }
0x2b: {  	[sflag:s14] =	ssyncset.done $0x0  }
0x2c: {  	[sflag:s14] =	ssyncadd.s32 $0xFFFFF800  }
0x2d: {  	_ =	swait.ge [sflag:s15], $0x2A00  }
0x2e: {  	[sflag:s15] =	ssyncset.done $0x0  }
0x2f: {  	[sflag:s15] =	ssyncadd.s32 $0xFFFFD600  }
0x30: {  	s22 =	simm.s32 $0x0;
	[bflag:$0x0] =	sbarrier.arrive $0xFFFF  }
.LBB2_4:
0x31: {  	p0 =	sne.s32 s22, $0xA600  }
.Ltmp1:
0x32: {  	_ = 	snop;
	(pc) =	sbr.rel @p0 .LBB2_4-.Ltmp1, $4  }
0x33: {  	_ = 	snop  }
0x34: {  	s23 =	sshra.s32 s22, $0x2  }
0x35: {  	s22 =	sadd.s32 $0x200, s22;
	s23 =	sadd.s32 $0x3800, s23  }
0x36: {  	[spmem:s1] =	stream.indirect.scatter.add.f32 [tilespmem:s17], [sflag:$0x2], $0x10, s23, s16, $0xb8;
	[tilespmem:$0x6200] =	vst v63  }
0x37: {  	_ =	swait.ge [sflag:s18], $0x800  }
0x38: {  	s22 =	simm.s32 $0x53;
	[sflag:s18] =	ssyncset.done $0x0  }
.LBB2_6:
0x39: {  	p0 =	sne.s32 s22, $0x1;
	s22 =	sadd.s32 $0xFFFFFFFF, s22;
	[sflag:s18] =	ssyncadd.s32 $0xFFFFF800  }
.Ltmp2:
0x3a: {  	(pc) =	sbr.rel @p0 .LBB2_6-.Ltmp2, $3  }
0x3b: {  	_ =	sdelay $0x1  }
0x3c: {  	_ =	swait.ge [sflag:s18], $0x800  }
0x3d: {  	[sflag:s18] =	ssyncset.done $0x0  }
0x3e: {  	s21 =	sadd.s32 $0x1, s21  }
0x3f: {  	[sflag:s18] =	ssyncadd.s32 $0xFFFFF800;
	p0 =	sne.s32 s21, s7  }
.Ltmp3:
0x40: {  	[bflag:$0x0] =	sbarrier.arrive $0xFFFF;
	(pc) =	sbr.rel @p0 .LBB2_1-.Ltmp3, $4  }
0x41: {  	[hbm:s6], [sflag:s19] =	dma.local [spmem:s20], $0x500  }
0x42: {  	_ =	swait.ge [sflag:s14], $0x500  }
0x43: {  	[sflag:s14] =	ssyncset.done $0x0  }
0x44: {  	[sflag:s14] =	ssyncadd.s32 $0xFFFFFB00  }
0x45: {  	_ =	sfence.sel $0x180000  }
0x46: {  	[bflag:$0x0] =	sbarrier.arrive $0xFFFF  }
0x47: {  	p0 =	sne.s32 s2, $0x0;
	_ =	strace $0x90000047  }
0x48: {  	s0 =	sadd.s32 @!p0 $0x100000, s0;
	[bflag:$0x2] =	sbarrier.arrive $0xFFFF  }
0x49: {  	[sflag:s0] =	ssyncadd.tile.s32 @!p0 $0x1;
	_ =	shalt  }
.Lfunc_end2:
_tile_overlayer_lowered:
.L_overlay_start_2:
0x4a: {  	(tag) =	ssettag $0x2  }
0x4b: {  	s0 =	rddreg [dreg:$0x0];
	s2 =	stileid.u32  }
0x4c: {  	s1 =	rddreg [dreg:$0x1];
	p0 =	sne.s32 s2, $0x0  }
0x4d: {  	s3 =	rddreg [dreg:$0x2];
	[bflag:$0x3] =	sbarrier.arrive $0xFFFF;
	s2 =	simm.s32 @!p0 $0x1C03  }
0x4e: {  	[timem:s3], [sflag:s2] =	dma.local @!p0 [hbm:s0], s1  }
0x4f: {  	s0 =	simm.s32 @!p0 $0x3  }
0x50: {  	_ =	swait.ge @!p0 [sflag:s0], s1  }
0x51: {  	s1 =	ssub.s32 @!p0 $0x0, s1;
	[sflag:s0] =	ssyncset.done @!p0 $0x0  }
0x52: {  	[sflag:s0] =	ssyncadd.s32 @!p0 s1  }
0x53: {  	[bflag:$0x3] =	sbarrier.arrive $0xFFFF  }
0x54: {  	_ =	shalt  }

</sc_bundles>
